<compile_context>
chip_gen: v7x
topology: tpu7x:2x2x1
jax: 0.10.2.dev20260603
libtpu: 0.0.44.dev20260713+nightly
codegen_flags: <defaults>
</compile_context>

<pallas_src>
import jax
import jax.numpy as jnp
import numpy as np
from jax import lax
from jax.experimental import pallas as pl
from jax.experimental.pallas import tpu as pltpu
from jax.experimental.pallas import tpu_sc as plsc

N_NODES = 10000
N_EDGES = 320000
D = 128

NC = 2
NS = 16

EB = 80
E_PER_TILE_AGG = N_EDGES // NC // NS
CHUNKS_AGG = E_PER_TILE_AGG // EB

DEG_EB = 100
E_PER_TILE_DEG = N_EDGES // NS
CHUNKS_DEG = E_PER_TILE_DEG // DEG_EB

N_PAD = 10112
ROWS_PER_TILE = N_PAD // NS

_mesh = plsc.VectorSubcoreMesh(
    core_axis_name="c", subcore_axis_name="s", num_cores=NC, num_subcores=NS
)


def _deg_body(ei_ref, ones_ref, zeros_ref, out_ref, ibuf, val, acc, sem):
    cid = lax.axis_index("c")
    sid = lax.axis_index("s")
    row0 = sid * ROWS_PER_TILE

    zcp = pltpu.async_copy(zeros_ref, acc.at[pl.ds(row0, ROWS_PER_TILE)], sem)
    pltpu.sync_copy(ones_ref, val)
    pltpu.sync_copy(ei_ref.at[cid, sid], ibuf)
    zcp.wait()
    plsc.subcore_barrier()

    DEPTH = 8

    def body(j, carry):
        pltpu.async_copy(val, acc.at[ibuf.at[j]], sem, add=True)
        pl.when(j >= DEPTH)(
            lambda: pltpu.make_async_copy(val, acc.at[ibuf.at[j]], sem).wait())
        return carry

    lax.fori_loop(0, CHUNKS_DEG, body, 0)
    for j in range(DEPTH):
        pltpu.make_async_copy(val, acc.at[ibuf.at[j]], sem).wait()
    plsc.subcore_barrier()
    pltpu.sync_copy(
        acc.at[pl.ds(row0, ROWS_PER_TILE)],
        out_ref.at[cid, pl.ds(row0, ROWS_PER_TILE)],
    )


_deg_kernel = pl.kernel(
    _deg_body,
    out_type=jax.ShapeDtypeStruct((NC, N_PAD, 8), jnp.float32),
    mesh=_mesh,
    scratch_types=[
        pltpu.VMEM((CHUNKS_DEG, DEG_EB), jnp.int32),
        pltpu.VMEM((DEG_EB, 8), jnp.float32),
        pltpu.VMEM_SHARED((N_PAD, 8), jnp.float32),
        pltpu.SemaphoreType.DMA,
    ],
)


def _agg_body(g_ref, src_ref, dst_ref, zeros_ref, out_ref, sbuf, dbuf,
              vbuf0, vbuf1, acc, gsem0, gsem1, ssem0, ssem1):
    cid = lax.axis_index("c")
    sid = lax.axis_index("s")
    row0 = sid * ROWS_PER_TILE

    zcp = pltpu.async_copy(zeros_ref, acc.at[pl.ds(row0, ROWS_PER_TILE)], gsem1)
    pltpu.sync_copy(src_ref.at[cid, sid], sbuf)
    pltpu.sync_copy(dst_ref.at[cid, sid], dbuf)
    zcp.wait()

    vbufs = (vbuf0, vbuf1)
    gsems = (gsem0, gsem1)
    ssems = (ssem0, ssem1)

    def start_g(j, b):
        pltpu.async_copy(g_ref.at[sbuf.at[pl.ds(j * EB, EB)]],
                         vbufs[b], gsems[b])

    def wait_g(j, b):
        pltpu.make_async_copy(g_ref.at[sbuf.at[pl.ds(j * EB, EB)]],
                              vbufs[b], gsems[b]).wait()

    def start_s(j, b):
        pltpu.async_copy(vbufs[b], acc.at[dbuf.at[j]], ssems[b], add=True)

    def wait_s(j, b):
        pltpu.make_async_copy(vbufs[b], acc.at[dbuf.at[j]], ssems[b]).wait()

    start_g(0, 0)
    plsc.subcore_barrier()

    def body(p, carry):
        j0 = 2 * p
        j1 = j0 + 1
        wait_g(j0, 0)
        start_s(j0, 0)
        pl.when(p > 0)(lambda: wait_s(j0 - 1, 1))
        pl.when(j1 < CHUNKS_AGG)(lambda: start_g(j1, 1))

        @pl.when(j1 < CHUNKS_AGG)
        def _odd():
            wait_g(j1, 1)
            start_s(j1, 1)
            wait_s(j0, 0)
            pl.when(j1 + 1 < CHUNKS_AGG)(lambda: start_g(j1 + 1, 0))

        return carry

    lax.fori_loop(0, (CHUNKS_AGG + 1) // 2, body, 0)
    wait_s(CHUNKS_AGG - 1, (CHUNKS_AGG - 1) % 2)
    plsc.subcore_barrier()
    pltpu.sync_copy(
        acc.at[pl.ds(row0, ROWS_PER_TILE)],
        out_ref.at[cid, pl.ds(row0, ROWS_PER_TILE)],
    )


_agg_kernel = pl.kernel(
    _agg_body,
    out_type=jax.ShapeDtypeStruct((NC, N_PAD, D), jnp.float32),
    mesh=_mesh,
    scratch_types=[
        pltpu.VMEM((E_PER_TILE_AGG,), jnp.int32),
        pltpu.VMEM((CHUNKS_AGG, EB), jnp.int32),
        pltpu.VMEM((EB, D), jnp.float32),
        pltpu.VMEM((EB, D), jnp.float32),
        pltpu.VMEM_SHARED((N_PAD, D), jnp.float32),
        pltpu.SemaphoreType.DMA,
        pltpu.SemaphoreType.DMA,
        pltpu.SemaphoreType.DMA,
        pltpu.SemaphoreType.DMA,
    ],
)


RB = 5000
_GRID = (N_NODES // RB,)


def _norms(deg_ref):
    d = deg_ref[...]
    deg_s = jnp.sum(d[0], axis=1)
    deg_d = jnp.sum(d[1], axis=1)
    ns = lax.rsqrt(jnp.maximum(deg_s, 1.0))
    nd = lax.rsqrt(jnp.maximum(deg_d, 1.0))
    return ns, nd


def _mm_body(x_ref, w_ref, deg_ref, o_ref):
    ns, _ = _norms(deg_ref)
    o_ref[...] = ns[:, None] * jnp.dot(x_ref[...], w_ref[...],
                                       preferred_element_type=jnp.float32)


def _mid_body(a_ref, deg_ref, b_ref, w_ref, o_ref):
    ns, nd = _norms(deg_ref)
    a = a_ref[0] + a_ref[1]
    h = jax.nn.relu(nd[:, None] * a + b_ref[...][None, :])
    o_ref[...] = jnp.dot(ns[:, None] * h, w_ref[...],
                         preferred_element_type=jnp.float32)


def _final_body(a_ref, deg_ref, b_ref, o_ref):
    _, nd = _norms(deg_ref)
    a = a_ref[0] + a_ref[1]
    o_ref[...] = nd[:, None] * a + b_ref[...][None, :]


_row_spec = pl.BlockSpec((RB, D), lambda i: (i, 0))
_deg_spec = pl.BlockSpec((NC, RB, 8), lambda i: (0, i, 0))
_acc_spec = pl.BlockSpec((NC, RB, D), lambda i: (0, i, 0))
_w_spec = pl.BlockSpec((D, D), lambda i: (0, 0))
_b_spec = pl.BlockSpec((D,), lambda i: (0,))
_out_f32 = jax.ShapeDtypeStruct((N_NODES, D), jnp.float32)

_tc_matmul = pl.pallas_call(
    _mm_body, grid=_GRID, in_specs=[_row_spec, _w_spec, _deg_spec],
    out_specs=_row_spec, out_shape=_out_f32)
_tc_mid = pl.pallas_call(
    _mid_body, grid=_GRID, in_specs=[_acc_spec, _deg_spec, _b_spec, _w_spec],
    out_specs=_row_spec, out_shape=_out_f32)
_tc_final = pl.pallas_call(
    _final_body, grid=_GRID, in_specs=[_acc_spec, _deg_spec, _b_spec],
    out_specs=_row_spec, out_shape=_out_f32)


_ONES_PAT = np.zeros((DEG_EB, 8), np.float32)
_ONES_PAT[:, 0] = 1.0


def kernel(x, edge_index, W1, b1, W2, b2, W3, b3):
    ei = edge_index.astype(jnp.int32)
    ei_deg = ei.reshape(2, NS, CHUNKS_DEG, DEG_EB)
    src_agg = ei[0].reshape(NC, NS, E_PER_TILE_AGG)
    dst_agg = ei[1].reshape(NC, NS, CHUNKS_AGG, EB)
    ones_pat = jnp.asarray(_ONES_PAT)
    zeros8 = jnp.zeros((ROWS_PER_TILE, 8), jnp.float32)
    zeros128 = jnp.zeros((ROWS_PER_TILE, D), jnp.float32)

    degs = _deg_kernel(ei_deg, ones_pat, zeros8)
    g1 = _tc_matmul(x, W1, degs)
    a1 = _agg_kernel(g1, src_agg, dst_agg, zeros128)
    g2 = _tc_mid(a1, degs, b1, W2)
    a2 = _agg_kernel(g2, src_agg, dst_agg, zeros128)
    g3 = _tc_mid(a2, degs, b2, W3)
    a3 = _agg_kernel(g3, src_agg, dst_agg, zeros128)
    return _tc_final(a3, degs, b3)

# --- scband reference (transcript-rebuilt; emitter-appended) ---
"""Pipeline reference for scband-sage-7739531067740 (READ-ONLY COPY).

The authoritative reference and input builder live on the scoring server;
editing this copy changes nothing except your own understanding.
"""

import jax, jax.numpy as jnp
import numpy as np

N_NODES = 10000
N_EDGES = 320000
D_IN = 128
D_HID = 128
D_OUT = 128

def setup_inputs(seed: int = 0) -> dict:
    key = jax.random.key(seed)
    k1, k2, k3, k4, k5 = jax.random.split(key, 5)
    x = jax.random.normal(k1, (N_NODES, D_IN), dtype=jnp.float32)
    edge_index = jax.random.randint(k2, (2, N_EDGES), 0, N_NODES, dtype=jnp.int64)
    W1 = jax.random.normal(k3, (D_IN, D_HID), dtype=jnp.float32) * (1.0 / np.sqrt(D_IN))
    b1 = jnp.zeros((D_HID,), dtype=jnp.float32)
    W2 = jax.random.normal(k4, (D_HID, D_OUT), dtype=jnp.float32) * (1.0 / np.sqrt(D_HID))
    b2 = jnp.zeros((D_OUT,), dtype=jnp.float32)
    W3 = jax.random.normal(k5, (D_OUT, D_OUT), dtype=jnp.float32) * (1.0 / np.sqrt(D_OUT))
    b3 = jnp.zeros((D_OUT,), dtype=jnp.float32)
    return {"x": x, "edge_index": edge_index, "W1": W1, "b1": b1, "W2": W2, "b2": b2, "W3": W3, "b3": b3}

def _graph_conv(h, src, dst, W, b, n_nodes):
    # DGL GraphConv with norm='both': D_dst^{-1/2} * A^T * (D_src^{-1/2} * h) @ W + b
    deg_out = jnp.bincount(src, length=n_nodes).astype(jnp.float32)
    deg_in = jnp.bincount(dst, length=n_nodes).astype(jnp.float32)
    norm_src = jnp.clip(deg_out, 1.0, None) ** -0.5
    norm_dst = jnp.clip(deg_in, 1.0, None) ** -0.5
    h = h * norm_src[:, None]
    msg = jnp.take(h, src, axis=0)
    agg = jax.ops.segment_sum(msg, dst, num_segments=n_nodes)
    agg = agg * norm_dst[:, None]
    return agg @ W + b

def reference(x, edge_index, W1, b1, W2, b2, W3, b3):
    src = edge_index[0]
    dst = edge_index[1]
    h = _graph_conv(x, src, dst, W1, b1, N_NODES)
    h = jax.nn.relu(h)
    h = _graph_conv(h, src, dst, W2, b2, N_NODES)
    h = jax.nn.relu(h)
    h = _graph_conv(h, src, dst, W3, b3, N_NODES)
    return h

if __name__ == "__main__":
    import jax
    _d = setup_inputs()
    print(jax.jit(kernel)(*tuple(_d.values())))

</pallas_src>

<mosaic_0001>
#map = affine_map<(d0, d1) -> (0, 0)>
#map1 = affine_map<(d0, d1) -> (0, 0, 0)>
#map2 = affine_map<(d0, d1) -> (0, 0, 0, 0)>
module attributes {stable_mosaic.version = 14 : i64} {
  func.func @_agg_body(%arg0: i32, %arg1: i32, %arg2: memref<10000x128xf32, #tpu.memory_space<hbm>>, %arg3: memref<2x16x10000xi32, #tpu.memory_space<hbm>>, %arg4: memref<2x16x125x80xi32, #tpu.memory_space<hbm>>, %arg5: memref<632x128xf32, #tpu.memory_space<hbm>>, %arg6: memref<2x10112x128xf32, #tpu.memory_space<hbm>>, %arg7: memref<10000xi32, #tpu.memory_space<vmem>>, %arg8: memref<125x80xi32, #tpu.memory_space<vmem>>, %arg9: memref<80x128xf32, #tpu.memory_space<vmem>>, %arg10: memref<80x128xf32, #tpu.memory_space<vmem>>, %arg11: memref<10112x128xf32, #tpu.memory_space<vmem_shared>>, %arg12: memref<!tpu.dma_semaphore, #tpu.memory_space<semaphore_mem>>, %arg13: memref<!tpu.dma_semaphore, #tpu.memory_space<semaphore_mem>>, %arg14: memref<!tpu.dma_semaphore, #tpu.memory_space<semaphore_mem>>, %arg15: memref<!tpu.dma_semaphore, #tpu.memory_space<semaphore_mem>>) attributes {dimension_semantics = [#tpu.dimension_semantics<core_parallel>, #tpu.dimension_semantics<subcore_parallel>], iteration_bounds = array<i64: 2, 16>, scalar_prefetch = 0 : i64, scratch_operands = 9 : i64, tpu.core_type = #tpu.core_type<sc_vector_subcore>, window_params = [{transform_indices = #map}, {transform_indices = #map1}, {transform_indices = #map2}, {transform_indices = #map}, {transform_indices = #map1}]} {
    %mul3A = arith.constant 632 : i32
    %mul3A_0 = arith.muli %arg1, %mul3A : i32
    %dma_start3A = arith.constant 0 : i32
    %dma_start3A_1 = tpu.memref_slice %arg11[%mul3A_0, %dma_start3A] : memref<10112x128xf32, #tpu.memory_space<vmem_shared>> -> memref<632x128xf32, #tpu.memory_space<vmem_shared>>
    tpu.enqueue_dma source(%arg5 : memref<632x128xf32, #tpu.memory_space<hbm>>) target(%dma_start3A_1 : memref<632x128xf32, #tpu.memory_space<vmem_shared>>) target_semaphore(%arg13 : memref<!tpu.dma_semaphore, #tpu.memory_space<semaphore_mem>>)
    "tpu.region"() ({
      %run_scoped3A = tpu.sem_alloc : memref<!tpu.dma_semaphore, #tpu.memory_space<semaphore_mem>>
      %dma_start3A_21 = arith.constant 0 : i32
      %dma_start3A_22 = tpu.memref_slice %arg3[%arg0, %arg1, %dma_start3A_21] : memref<2x16x10000xi32, #tpu.memory_space<hbm>> -> memref<1x1x10000xi32, #tpu.memory_space<hbm>>
      %dma_start3A_23 = tpu.memref_squeeze %dma_start3A_22 : memref<1x1x10000xi32, #tpu.memory_space<hbm>> -> memref<10000xi32, #tpu.memory_space<hbm>>
      %dma_start3A_24 = arith.constant 0 : i32
      %dma_start3A_25 = tpu.memref_slice %arg3[%arg0, %arg1, %dma_start3A_24] : memref<2x16x10000xi32, #tpu.memory_space<hbm>> -> memref<1x1x10000xi32, #tpu.memory_space<hbm>>
      %dma_start3A_26 = tpu.memref_squeeze %dma_start3A_25 : memref<1x1x10000xi32, #tpu.memory_space<hbm>> -> memref<10000xi32, #tpu.memory_space<hbm>>
      tpu.enqueue_dma source(%dma_start3A_26 : memref<10000xi32, #tpu.memory_space<hbm>>) target(%arg7 : memref<10000xi32, #tpu.memory_space<vmem>>) target_semaphore(%run_scoped3A : memref<!tpu.dma_semaphore, #tpu.memory_space<semaphore_mem>>)
      %dma_wait3A_27 = arith.constant 0 : i32
      %dma_wait3A_28 = tpu.memref_slice %arg3[%arg0, %arg1, %dma_wait3A_27] : memref<2x16x10000xi32, #tpu.memory_space<hbm>> -> memref<1x1x10000xi32, #tpu.memory_space<hbm>>
      %dma_wait3A_29 = tpu.memref_squeeze %dma_wait3A_28 : memref<1x1x10000xi32, #tpu.memory_space<hbm>> -> memref<10000xi32, #tpu.memory_space<hbm>>
      %dma_wait3A_30 = arith.constant 0 : i32
      %dma_wait3A_31 = tpu.memref_slice %arg3[%arg0, %arg1, %dma_wait3A_30] : memref<2x16x10000xi32, #tpu.memory_space<hbm>> -> memref<1x1x10000xi32, #tpu.memory_space<hbm>>
      %dma_wait3A_32 = tpu.memref_squeeze %dma_wait3A_31 : memref<1x1x10000xi32, #tpu.memory_space<hbm>> -> memref<10000xi32, #tpu.memory_space<hbm>>
      tpu.wait_dma2 semaphore(%run_scoped3A : memref<!tpu.dma_semaphore, #tpu.memory_space<semaphore_mem>>) src(%dma_wait3A_32 : memref<10000xi32, #tpu.memory_space<hbm>>) dst(%arg7 : memref<10000xi32, #tpu.memory_space<vmem>>)
      tpu.yield
    }) : () -> ()
    "tpu.region"() ({
      %run_scoped3A = tpu.sem_alloc : memref<!tpu.dma_semaphore, #tpu.memory_space<semaphore_mem>>
      %dma_start3A_21 = arith.constant 0 : i32
      %dma_start3A_22 = arith.constant 0 : i32
      %dma_start3A_23 = tpu.memref_slice %arg4[%arg0, %arg1, %dma_start3A_21, %dma_start3A_22] : memref<2x16x125x80xi32, #tpu.memory_space<hbm>> -> memref<1x1x125x80xi32, #tpu.memory_space<hbm>>
      %dma_start3A_24 = tpu.memref_squeeze %dma_start3A_23 : memref<1x1x125x80xi32, #tpu.memory_space<hbm>> -> memref<125x80xi32, #tpu.memory_space<hbm>>
      %dma_start3A_25 = arith.constant 0 : i32
      %dma_start3A_26 = arith.constant 0 : i32
      %dma_start3A_27 = tpu.memref_slice %arg4[%arg0, %arg1, %dma_start3A_25, %dma_start3A_26] : memref<2x16x125x80xi32, #tpu.memory_space<hbm>> -> memref<1x1x125x80xi32, #tpu.memory_space<hbm>>
      %dma_start3A_28 = tpu.memref_squeeze %dma_start3A_27 : memref<1x1x125x80xi32, #tpu.memory_space<hbm>> -> memref<125x80xi32, #tpu.memory_space<hbm>>
      tpu.enqueue_dma source(%dma_start3A_28 : memref<125x80xi32, #tpu.memory_space<hbm>>) target(%arg8 : memref<125x80xi32, #tpu.memory_space<vmem>>) target_semaphore(%run_scoped3A : memref<!tpu.dma_semaphore, #tpu.memory_space<semaphore_mem>>)
      %dma_wait3A_29 = arith.constant 0 : i32
      %dma_wait3A_30 = arith.constant 0 : i32
      %dma_wait3A_31 = tpu.memref_slice %arg4[%arg0, %arg1, %dma_wait3A_29, %dma_wait3A_30] : memref<2x16x125x80xi32, #tpu.memory_space<hbm>> -> memref<1x1x125x80xi32, #tpu.memory_space<hbm>>
      %dma_wait3A_32 = tpu.memref_squeeze %dma_wait3A_31 : memref<1x1x125x80xi32, #tpu.memory_space<hbm>> -> memref<125x80xi32, #tpu.memory_space<hbm>>
      %dma_wait3A_33 = arith.constant 0 : i32
      %dma_wait3A_34 = arith.constant 0 : i32
      %dma_wait3A_35 = tpu.memref_slice %arg4[%arg0, %arg1, %dma_wait3A_33, %dma_wait3A_34] : memref<2x16x125x80xi32, #tpu.memory_space<hbm>> -> memref<1x1x125x80xi32, #tpu.memory_space<hbm>>
      %dma_wait3A_36 = tpu.memref_squeeze %dma_wait3A_35 : memref<1x1x125x80xi32, #tpu.memory_space<hbm>> -> memref<125x80xi32, #tpu.memory_space<hbm>>
      tpu.wait_dma2 semaphore(%run_scoped3A : memref<!tpu.dma_semaphore, #tpu.memory_space<semaphore_mem>>) src(%dma_wait3A_36 : memref<125x80xi32, #tpu.memory_space<hbm>>) dst(%arg8 : memref<125x80xi32, #tpu.memory_space<vmem>>)
      tpu.yield
    }) : () -> ()
    %dma_wait3A = arith.constant 0 : i32
    %dma_wait3A_2 = tpu.memref_slice %arg11[%mul3A_0, %dma_wait3A] : memref<10112x128xf32, #tpu.memory_space<vmem_shared>> -> memref<632x128xf32, #tpu.memory_space<vmem_shared>>
    tpu.wait_dma2 semaphore(%arg13 : memref<!tpu.dma_semaphore, #tpu.memory_space<semaphore_mem>>) src(%arg5 : memref<632x128xf32, #tpu.memory_space<hbm>>) dst(%dma_wait3A_2 : memref<632x128xf32, #tpu.memory_space<vmem_shared>>)
    %dma_start3A_3 = arith.constant 0 : i32
    %dma_start3A_4 = tpu.memref_slice %arg7[%dma_start3A_3] : memref<10000xi32, #tpu.memory_space<vmem>> -> memref<80xi32, #tpu.memory_space<vmem>>
    %dma_start3A_5 = arith.constant 0 : i32
    %dma_start3A_6 = arith.constant 0 : i32
    %dma_start3A_7 = tpu.memref_slice %arg2[%dma_start3A_5, %dma_start3A_6] : memref<10000x128xf32, #tpu.memory_space<hbm>> -> memref<10000x128xf32, #tpu.memory_space<hbm>>
    tpu.enqueue_indirect_dma source(%dma_start3A_7 : memref<10000x128xf32, #tpu.memory_space<hbm>>) target(%arg9 : memref<80x128xf32, #tpu.memory_space<vmem>>) offsets(%dma_start3A_4 : memref<80xi32, #tpu.memory_space<vmem>>) semaphore(%arg12 : memref<!tpu.dma_semaphore, #tpu.memory_space<semaphore_mem>>)
    %barrier3A = arith.constant 0 : index
    tpu.barrier barrier_id(%barrier3A)
    %scan3A = arith.constant 0 : i32
    %scan3A_8 = arith.constant 0 : i32
    %scan3A_9 = arith.constant 63 : i32
    %scan3A_10 = arith.addi %scan3A_8, %scan3A_9 : i32
    %scan3A_11 = arith.constant 1 : i32
    scf.for %scan3A_21 = %scan3A_8 to %scan3A_10 step %scan3A_11  : i32 {
      %mul3A_22 = arith.constant 2 : i32
      %mul3A_23 = arith.muli %mul3A_22, %scan3A_21 : i32
      %add3A = arith.constant 1 : i32
      %add3A_24 = arith.addi %mul3A_23, %add3A : i32
      %mul3A_25 = arith.constant 80 : i32
      %mul3A_26 = arith.muli %mul3A_23, %mul3A_25 : i32
      %dma_wait3A_27 = tpu.memref_slice %arg7[%mul3A_26] : memref<10000xi32, #tpu.memory_space<vmem>> -> memref<80xi32, #tpu.memory_space<vmem>>
      %dma_wait3A_28 = arith.constant 0 : i32
      %dma_wait3A_29 = arith.constant 0 : i32
      %dma_wait3A_30 = tpu.memref_slice %arg2[%dma_wait3A_28, %dma_wait3A_29] : memref<10000x128xf32, #tpu.memory_space<hbm>> -> memref<10000x128xf32, #tpu.memory_space<hbm>>
      tpu.wait_indirect_dma semaphore(%arg12 : memref<!tpu.dma_semaphore, #tpu.memory_space<semaphore_mem>>) src(%dma_wait3A_30 : memref<10000x128xf32, #tpu.memory_space<hbm>>) dst(%arg9 : memref<80x128xf32, #tpu.memory_space<vmem>>)
      %dma_start3A_31 = arith.constant 0 : i32
      %dma_start3A_32 = tpu.memref_slice %arg8[%mul3A_23, %dma_start3A_31] : memref<125x80xi32, #tpu.memory_space<vmem>> -> memref<1x80xi32, #tpu.memory_space<vmem>>
      %dma_start3A_33 = tpu.memref_squeeze %dma_start3A_32 : memref<1x80xi32, #tpu.memory_space<vmem>> -> memref<80xi32, #tpu.memory_space<vmem>>
      %dma_start3A_34 = arith.constant 0 : i32
      %dma_start3A_35 = arith.constant 0 : i32
      %dma_start3A_36 = tpu.memref_slice %arg11[%dma_start3A_34, %dma_start3A_35] : memref<10112x128xf32, #tpu.memory_space<vmem_shared>> -> memref<10112x128xf32, #tpu.memory_space<vmem_shared>>
      tpu.enqueue_indirect_dma source(%arg9 : memref<80x128xf32, #tpu.memory_space<vmem>>) target(%dma_start3A_36 : memref<10112x128xf32, #tpu.memory_space<vmem_shared>>) offsets(%dma_start3A_33 : memref<80xi32, #tpu.memory_space<vmem>>) semaphore(%arg14 : memref<!tpu.dma_semaphore, #tpu.memory_space<semaphore_mem>>) {add = true}
      %gt3A = arith.constant 0 : i32
      %gt3A_37 = arith.cmpi sgt, %scan3A_21, %gt3A : i32
      %convert_element_type3A = arith.extui %gt3A_37 : i1 to i32
      %cond3A = arith.constant 0 : i32
      %cond3A_38 = arith.cmpi ne, %convert_element_type3A, %cond3A : i32
      scf.if %cond3A_38 {
        %sub3A = arith.constant 1 : i32
        %sub3A_48 = arith.subi %mul3A_23, %sub3A : i32
        %dma_wait3A_49 = arith.constant 0 : i32
        %dma_wait3A_50 = tpu.memref_slice %arg8[%sub3A_48, %dma_wait3A_49] : memref<125x80xi32, #tpu.memory_space<vmem>> -> memref<1x80xi32, #tpu.memory_space<vmem>>
        %dma_wait3A_51 = tpu.memref_squeeze %dma_wait3A_50 : memref<1x80xi32, #tpu.memory_space<vmem>> -> memref<80xi32, #tpu.memory_space<vmem>>
        %dma_wait3A_52 = arith.constant 0 : i32
        %dma_wait3A_53 = arith.constant 0 : i32
        %dma_wait3A_54 = tpu.memref_slice %arg11[%dma_wait3A_52, %dma_wait3A_53] : memref<10112x128xf32, #tpu.memory_space<vmem_shared>> -> memref<10112x128xf32, #tpu.memory_space<vmem_shared>>
        tpu.wait_indirect_dma semaphore(%arg15 : memref<!tpu.dma_semaphore, #tpu.memory_space<semaphore_mem>>) src(%arg10 : memref<80x128xf32, #tpu.memory_space<vmem>>) dst(%dma_wait3A_54 : memref<10112x128xf32, #tpu.memory_space<vmem_shared>>)
      } else {
      }
      %lt3A = arith.constant 125 : i32
      %lt3A_39 = arith.cmpi slt, %add3A_24, %lt3A : i32
      %convert_element_type3A_40 = arith.extui %lt3A_39 : i1 to i32
      %cond3A_41 = arith.constant 0 : i32
      %cond3A_42 = arith.cmpi ne, %convert_element_type3A_40, %cond3A_41 : i32
      scf.if %cond3A_42 {
        %mul3A_48 = arith.constant 80 : i32
        %mul3A_49 = arith.muli %add3A_24, %mul3A_48 : i32
        %dma_start3A_50 = tpu.memref_slice %arg7[%mul3A_49] : memref<10000xi32, #tpu.memory_space<vmem>> -> memref<80xi32, #tpu.memory_space<vmem>>
        %dma_start3A_51 = arith.constant 0 : i32
        %dma_start3A_52 = arith.constant 0 : i32
        %dma_start3A_53 = tpu.memref_slice %arg2[%dma_start3A_51, %dma_start3A_52] : memref<10000x128xf32, #tpu.memory_space<hbm>> -> memref<10000x128xf32, #tpu.memory_space<hbm>>
        tpu.enqueue_indirect_dma source(%dma_start3A_53 : memref<10000x128xf32, #tpu.memory_space<hbm>>) target(%arg10 : memref<80x128xf32, #tpu.memory_space<vmem>>) offsets(%dma_start3A_50 : memref<80xi32, #tpu.memory_space<vmem>>) semaphore(%arg13 : memref<!tpu.dma_semaphore, #tpu.memory_space<semaphore_mem>>)
      } else {
      }
      %lt3A_43 = arith.constant 125 : i32
      %lt3A_44 = arith.cmpi slt, %add3A_24, %lt3A_43 : i32
      %convert_element_type3A_45 = arith.extui %lt3A_44 : i1 to i32
      %cond3A_46 = arith.constant 0 : i32
      %cond3A_47 = arith.cmpi ne, %convert_element_type3A_45, %cond3A_46 : i32
      scf.if %cond3A_47 {
        %mul3A_48 = arith.constant 80 : i32
        %mul3A_49 = arith.muli %add3A_24, %mul3A_48 : i32
        %dma_wait3A_50 = tpu.memref_slice %arg7[%mul3A_49] : memref<10000xi32, #tpu.memory_space<vmem>> -> memref<80xi32, #tpu.memory_space<vmem>>
        %dma_wait3A_51 = arith.constant 0 : i32
        %dma_wait3A_52 = arith.constant 0 : i32
        %dma_wait3A_53 = tpu.memref_slice %arg2[%dma_wait3A_51, %dma_wait3A_52] : memref<10000x128xf32, #tpu.memory_space<hbm>> -> memref<10000x128xf32, #tpu.memory_space<hbm>>
        tpu.wait_indirect_dma semaphore(%arg13 : memref<!tpu.dma_semaphore, #tpu.memory_space<semaphore_mem>>) src(%dma_wait3A_53 : memref<10000x128xf32, #tpu.memory_space<hbm>>) dst(%arg10 : memref<80x128xf32, #tpu.memory_space<vmem>>)
        %dma_start3A_54 = arith.constant 0 : i32
        %dma_start3A_55 = tpu.memref_slice %arg8[%add3A_24, %dma_start3A_54] : memref<125x80xi32, #tpu.memory_space<vmem>> -> memref<1x80xi32, #tpu.memory_space<vmem>>
        %dma_start3A_56 = tpu.memref_squeeze %dma_start3A_55 : memref<1x80xi32, #tpu.memory_space<vmem>> -> memref<80xi32, #tpu.memory_space<vmem>>
        %dma_start3A_57 = arith.constant 0 : i32
        %dma_start3A_58 = arith.constant 0 : i32
        %dma_start3A_59 = tpu.memref_slice %arg11[%dma_start3A_57, %dma_start3A_58] : memref<10112x128xf32, #tpu.memory_space<vmem_shared>> -> memref<10112x128xf32, #tpu.memory_space<vmem_shared>>
        tpu.enqueue_indirect_dma source(%arg10 : memref<80x128xf32, #tpu.memory_space<vmem>>) target(%dma_start3A_59 : memref<10112x128xf32, #tpu.memory_space<vmem_shared>>) offsets(%dma_start3A_56 : memref<80xi32, #tpu.memory_space<vmem>>) semaphore(%arg15 : memref<!tpu.dma_semaphore, #tpu.memory_space<semaphore_mem>>) {add = true}
        %dma_wait3A_60 = arith.constant 0 : i32
        %dma_wait3A_61 = tpu.memref_slice %arg8[%mul3A_23, %dma_wait3A_60] : memref<125x80xi32, #tpu.memory_space<vmem>> -> memref<1x80xi32, #tpu.memory_space<vmem>>
        %dma_wait3A_62 = tpu.memref_squeeze %dma_wait3A_61 : memref<1x80xi32, #tpu.memory_space<vmem>> -> memref<80xi32, #tpu.memory_space<vmem>>
        %dma_wait3A_63 = arith.constant 0 : i32
        %dma_wait3A_64 = arith.constant 0 : i32
        %dma_wait3A_65 = tpu.memref_slice %arg11[%dma_wait3A_63, %dma_wait3A_64] : memref<10112x128xf32, #tpu.memory_space<vmem_shared>> -> memref<10112x128xf32, #tpu.memory_space<vmem_shared>>
        tpu.wait_indirect_dma semaphore(%arg14 : memref<!tpu.dma_semaphore, #tpu.memory_space<semaphore_mem>>) src(%arg9 : memref<80x128xf32, #tpu.memory_space<vmem>>) dst(%dma_wait3A_65 : memref<10112x128xf32, #tpu.memory_space<vmem_shared>>)
        %add3A_66 = arith.constant 1 : i32
        %add3A_67 = arith.addi %add3A_24, %add3A_66 : i32
        %lt3A_68 = arith.constant 125 : i32
        %lt3A_69 = arith.cmpi slt, %add3A_67, %lt3A_68 : i32
        %convert_element_type3A_70 = arith.extui %lt3A_69 : i1 to i32
        %cond3A_71 = arith.constant 0 : i32
        %cond3A_72 = arith.cmpi ne, %convert_element_type3A_70, %cond3A_71 : i32
        scf.if %cond3A_72 {
          %add3A_73 = arith.constant 1 : i32
          %add3A_74 = arith.addi %add3A_24, %add3A_73 : i32
          %mul3A_75 = arith.constant 80 : i32
          %mul3A_76 = arith.muli %add3A_74, %mul3A_75 : i32
          %dma_start3A_77 = tpu.memref_slice %arg7[%mul3A_76] : memref<10000xi32, #tpu.memory_space<vmem>> -> memref<80xi32, #tpu.memory_space<vmem>>
          %dma_start3A_78 = arith.constant 0 : i32
          %dma_start3A_79 = arith.constant 0 : i32
          %dma_start3A_80 = tpu.memref_slice %arg2[%dma_start3A_78, %dma_start3A_79] : memref<10000x128xf32, #tpu.memory_space<hbm>> -> memref<10000x128xf32, #tpu.memory_space<hbm>>
          tpu.enqueue_indirect_dma source(%dma_start3A_80 : memref<10000x128xf32, #tpu.memory_space<hbm>>) target(%arg9 : memref<80x128xf32, #tpu.memory_space<vmem>>) offsets(%dma_start3A_77 : memref<80xi32, #tpu.memory_space<vmem>>) semaphore(%arg12 : memref<!tpu.dma_semaphore, #tpu.memory_space<semaphore_mem>>)
        } else {
        }
      } else {
      }
    }
    %scan3A_12 = arith.constant 63 : i32
    %dma_wait3A_13 = arith.constant 124 : i32
    %dma_wait3A_14 = arith.constant 0 : i32
    %dma_wait3A_15 = tpu.memref_slice %arg8[%dma_wait3A_13, %dma_wait3A_14] : memref<125x80xi32, #tpu.memory_space<vmem>> -> memref<1x80xi32, #tpu.memory_space<vmem>>
    %dma_wait3A_16 = tpu.memref_squeeze %dma_wait3A_15 : memref<1x80xi32, #tpu.memory_space<vmem>> -> memref<80xi32, #tpu.memory_space<vmem>>
    %dma_wait3A_17 = arith.constant 0 : i32
    %dma_wait3A_18 = arith.constant 0 : i32
    %dma_wait3A_19 = tpu.memref_slice %arg11[%dma_wait3A_17, %dma_wait3A_18] : memref<10112x128xf32, #tpu.memory_space<vmem_shared>> -> memref<10112x128xf32, #tpu.memory_space<vmem_shared>>
    tpu.wait_indirect_dma semaphore(%arg14 : memref<!tpu.dma_semaphore, #tpu.memory_space<semaphore_mem>>) src(%arg9 : memref<80x128xf32, #tpu.memory_space<vmem>>) dst(%dma_wait3A_19 : memref<10112x128xf32, #tpu.memory_space<vmem_shared>>)
    %barrier3A_20 = arith.constant 0 : index
    tpu.barrier barrier_id(%barrier3A_20)
    "tpu.region"() ({
      %run_scoped3A = tpu.sem_alloc : memref<!tpu.dma_semaphore, #tpu.memory_space<semaphore_mem>>
      %dma_start3A_21 = arith.constant 0 : i32
      %dma_start3A_22 = tpu.memref_slice %arg6[%arg0, %mul3A_0, %dma_start3A_21] : memref<2x10112x128xf32, #tpu.memory_space<hbm>> -> memref<1x632x128xf32, #tpu.memory_space<hbm>>
      %dma_start3A_23 = tpu.memref_squeeze %dma_start3A_22 : memref<1x632x128xf32, #tpu.memory_space<hbm>> -> memref<632x128xf32, #tpu.memory_space<hbm>>
      %dma_start3A_24 = arith.constant 0 : i32
      %dma_start3A_25 = tpu.memref_slice %arg11[%mul3A_0, %dma_start3A_24] : memref<10112x128xf32, #tpu.memory_space<vmem_shared>> -> memref<632x128xf32, #tpu.memory_space<vmem_shared>>
      tpu.enqueue_dma source(%dma_start3A_25 : memref<632x128xf32, #tpu.memory_space<vmem_shared>>) target(%dma_start3A_23 : memref<632x128xf32, #tpu.memory_space<hbm>>) target_semaphore(%run_scoped3A : memref<!tpu.dma_semaphore, #tpu.memory_space<semaphore_mem>>)
      %dma_wait3A_26 = arith.constant 0 : i32
      %dma_wait3A_27 = tpu.memref_slice %arg6[%arg0, %mul3A_0, %dma_wait3A_26] : memref<2x10112x128xf32, #tpu.memory_space<hbm>> -> memref<1x632x128xf32, #tpu.memory_space<hbm>>
      %dma_wait3A_28 = tpu.memref_squeeze %dma_wait3A_27 : memref<1x632x128xf32, #tpu.memory_space<hbm>> -> memref<632x128xf32, #tpu.memory_space<hbm>>
      %dma_wait3A_29 = arith.constant 0 : i32
      %dma_wait3A_30 = tpu.memref_slice %arg11[%mul3A_0, %dma_wait3A_29] : memref<10112x128xf32, #tpu.memory_space<vmem_shared>> -> memref<632x128xf32, #tpu.memory_space<vmem_shared>>
      tpu.wait_dma2 semaphore(%run_scoped3A : memref<!tpu.dma_semaphore, #tpu.memory_space<semaphore_mem>>) src(%dma_wait3A_30 : memref<632x128xf32, #tpu.memory_space<vmem_shared>>) dst(%dma_wait3A_28 : memref<632x128xf32, #tpu.memory_space<hbm>>)
      tpu.yield
    }) : () -> ()
    return
  }
}

#map = affine_map<(d0, d1) -> (0, 0, 0, 0)>
#map1 = affine_map<(d0, d1) -> (0, 0)>
#map2 = affine_map<(d0, d1) -> (0, 0, 0)>
module attributes {stable_mosaic.version = 14 : i64} {
  func.func @_deg_body(%arg0: i32, %arg1: i32, %arg2: memref<2x16x200x100xi32, #tpu.memory_space<hbm>>, %arg3: memref<100x8xf32, #tpu.memory_space<hbm>>, %arg4: memref<632x8xf32, #tpu.memory_space<hbm>>, %arg5: memref<2x10112x8xf32, #tpu.memory_space<hbm>>, %arg6: memref<200x100xi32, #tpu.memory_space<vmem>>, %arg7: memref<100x8xf32, #tpu.memory_space<vmem>>, %arg8: memref<10112x8xf32, #tpu.memory_space<vmem_shared>>, %arg9: memref<!tpu.dma_semaphore, #tpu.memory_space<semaphore_mem>>) attributes {dimension_semantics = [#tpu.dimension_semantics<core_parallel>, #tpu.dimension_semantics<subcore_parallel>], iteration_bounds = array<i64: 2, 16>, scalar_prefetch = 0 : i64, scratch_operands = 4 : i64, tpu.core_type = #tpu.core_type<sc_vector_subcore>, window_params = [{transform_indices = #map}, {transform_indices = #map1}, {transform_indices = #map1}, {transform_indices = #map2}]} {
    %mul3A = arith.constant 632 : i32
    %mul3A_0 = arith.muli %arg1, %mul3A : i32
    %dma_start3A = arith.constant 0 : i32
    %dma_start3A_1 = tpu.memref_slice %arg8[%mul3A_0, %dma_start3A] : memref<10112x8xf32, #tpu.memory_space<vmem_shared>> -> memref<632x8xf32, #tpu.memory_space<vmem_shared>>
    tpu.enqueue_dma source(%arg4 : memref<632x8xf32, #tpu.memory_space<hbm>>) target(%dma_start3A_1 : memref<632x8xf32, #tpu.memory_space<vmem_shared>>) target_semaphore(%arg9 : memref<!tpu.dma_semaphore, #tpu.memory_space<semaphore_mem>>)
    "tpu.region"() ({
      %run_scoped3A = tpu.sem_alloc : memref<!tpu.dma_semaphore, #tpu.memory_space<semaphore_mem>>
      tpu.enqueue_dma source(%arg3 : memref<100x8xf32, #tpu.memory_space<hbm>>) target(%arg7 : memref<100x8xf32, #tpu.memory_space<vmem>>) target_semaphore(%run_scoped3A : memref<!tpu.dma_semaphore, #tpu.memory_space<semaphore_mem>>)
      tpu.wait_dma2 semaphore(%run_scoped3A : memref<!tpu.dma_semaphore, #tpu.memory_space<semaphore_mem>>) src(%arg3 : memref<100x8xf32, #tpu.memory_space<hbm>>) dst(%arg7 : memref<100x8xf32, #tpu.memory_space<vmem>>)
      tpu.yield
    }) : () -> ()
    "tpu.region"() ({
      %run_scoped3A = tpu.sem_alloc : memref<!tpu.dma_semaphore, #tpu.memory_space<semaphore_mem>>
      %dma_start3A_65 = arith.constant 0 : i32
      %dma_start3A_66 = arith.constant 0 : i32
      %dma_start3A_67 = tpu.memref_slice %arg2[%arg0, %arg1, %dma_start3A_65, %dma_start3A_66] : memref<2x16x200x100xi32, #tpu.memory_space<hbm>> -> memref<1x1x200x100xi32, #tpu.memory_space<hbm>>
      %dma_start3A_68 = tpu.memref_squeeze %dma_start3A_67 : memref<1x1x200x100xi32, #tpu.memory_space<hbm>> -> memref<200x100xi32, #tpu.memory_space<hbm>>
      %dma_start3A_69 = arith.constant 0 : i32
      %dma_start3A_70 = arith.constant 0 : i32
      %dma_start3A_71 = tpu.memref_slice %arg2[%arg0, %arg1, %dma_start3A_69, %dma_start3A_70] : memref<2x16x200x100xi32, #tpu.memory_space<hbm>> -> memref<1x1x200x100xi32, #tpu.memory_space<hbm>>
      %dma_start3A_72 = tpu.memref_squeeze %dma_start3A_71 : memref<1x1x200x100xi32, #tpu.memory_space<hbm>> -> memref<200x100xi32, #tpu.memory_space<hbm>>
      tpu.enqueue_dma source(%dma_start3A_72 : memref<200x100xi32, #tpu.memory_space<hbm>>) target(%arg6 : memref<200x100xi32, #tpu.memory_space<vmem>>) target_semaphore(%run_scoped3A : memref<!tpu.dma_semaphore, #tpu.memory_space<semaphore_mem>>)
      %dma_wait3A_73 = arith.constant 0 : i32
      %dma_wait3A_74 = arith.constant 0 : i32
      %dma_wait3A_75 = tpu.memref_slice %arg2[%arg0, %arg1, %dma_wait3A_73, %dma_wait3A_74] : memref<2x16x200x100xi32, #tpu.memory_space<hbm>> -> memref<1x1x200x100xi32, #tpu.memory_space<hbm>>
      %dma_wait3A_76 = tpu.memref_squeeze %dma_wait3A_75 : memref<1x1x200x100xi32, #tpu.memory_space<hbm>> -> memref<200x100xi32, #tpu.memory_space<hbm>>
      %dma_wait3A_77 = arith.constant 0 : i32
      %dma_wait3A_78 = arith.constant 0 : i32
      %dma_wait3A_79 = tpu.memref_slice %arg2[%arg0, %arg1, %dma_wait3A_77, %dma_wait3A_78] : memref<2x16x200x100xi32, #tpu.memory_space<hbm>> -> memref<1x1x200x100xi32, #tpu.memory_space<hbm>>
      %dma_wait3A_80 = tpu.memref_squeeze %dma_wait3A_79 : memref<1x1x200x100xi32, #tpu.memory_space<hbm>> -> memref<200x100xi32, #tpu.memory_space<hbm>>
      tpu.wait_dma2 semaphore(%run_scoped3A : memref<!tpu.dma_semaphore, #tpu.memory_space<semaphore_mem>>) src(%dma_wait3A_80 : memref<200x100xi32, #tpu.memory_space<hbm>>) dst(%arg6 : memref<200x100xi32, #tpu.memory_space<vmem>>)
      tpu.yield
    }) : () -> ()
    %dma_wait3A = arith.constant 0 : i32
    %dma_wait3A_2 = tpu.memref_slice %arg8[%mul3A_0, %dma_wait3A] : memref<10112x8xf32, #tpu.memory_space<vmem_shared>> -> memref<632x8xf32, #tpu.memory_space<vmem_shared>>
    tpu.wait_dma2 semaphore(%arg9 : memref<!tpu.dma_semaphore, #tpu.memory_space<semaphore_mem>>) src(%arg4 : memref<632x8xf32, #tpu.memory_space<hbm>>) dst(%dma_wait3A_2 : memref<632x8xf32, #tpu.memory_space<vmem_shared>>)
    %barrier3A = arith.constant 0 : index
    tpu.barrier barrier_id(%barrier3A)
    %scan3A = arith.constant 0 : i32
    %scan3A_3 = arith.constant 0 : i32
    %scan3A_4 = arith.constant 200 : i32
    %scan3A_5 = arith.addi %scan3A_3, %scan3A_4 : i32
    %scan3A_6 = arith.constant 1 : i32
    scf.for %scan3A_65 = %scan3A_3 to %scan3A_5 step %scan3A_6  : i32 {
      %dma_start3A_66 = arith.constant 0 : i32
      %dma_start3A_67 = tpu.memref_slice %arg6[%scan3A_65, %dma_start3A_66] : memref<200x100xi32, #tpu.memory_space<vmem>> -> memref<1x100xi32, #tpu.memory_space<vmem>>
      %dma_start3A_68 = tpu.memref_squeeze %dma_start3A_67 : memref<1x100xi32, #tpu.memory_space<vmem>> -> memref<100xi32, #tpu.memory_space<vmem>>
      %dma_start3A_69 = arith.constant 0 : i32
      %dma_start3A_70 = arith.constant 0 : i32
      %dma_start3A_71 = tpu.memref_slice %arg8[%dma_start3A_69, %dma_start3A_70] : memref<10112x8xf32, #tpu.memory_space<vmem_shared>> -> memref<10112x8xf32, #tpu.memory_space<vmem_shared>>
      tpu.enqueue_indirect_dma source(%arg7 : memref<100x8xf32, #tpu.memory_space<vmem>>) target(%dma_start3A_71 : memref<10112x8xf32, #tpu.memory_space<vmem_shared>>) offsets(%dma_start3A_68 : memref<100xi32, #tpu.memory_space<vmem>>) semaphore(%arg9 : memref<!tpu.dma_semaphore, #tpu.memory_space<semaphore_mem>>) {add = true}
      %ge3A = arith.constant 8 : i32
      %ge3A_72 = arith.cmpi sge, %scan3A_65, %ge3A : i32
      %convert_element_type3A = arith.extui %ge3A_72 : i1 to i32
      %cond3A = arith.constant 0 : i32
      %cond3A_73 = arith.cmpi ne, %convert_element_type3A, %cond3A : i32
      scf.if %cond3A_73 {
        %dma_wait3A_74 = arith.constant 0 : i32
        %dma_wait3A_75 = tpu.memref_slice %arg6[%scan3A_65, %dma_wait3A_74] : memref<200x100xi32, #tpu.memory_space<vmem>> -> memref<1x100xi32, #tpu.memory_space<vmem>>
        %dma_wait3A_76 = tpu.memref_squeeze %dma_wait3A_75 : memref<1x100xi32, #tpu.memory_space<vmem>> -> memref<100xi32, #tpu.memory_space<vmem>>
        %dma_wait3A_77 = arith.constant 0 : i32
        %dma_wait3A_78 = arith.constant 0 : i32
        %dma_wait3A_79 = tpu.memref_slice %arg8[%dma_wait3A_77, %dma_wait3A_78] : memref<10112x8xf32, #tpu.memory_space<vmem_shared>> -> memref<10112x8xf32, #tpu.memory_space<vmem_shared>>
        tpu.wait_indirect_dma semaphore(%arg9 : memref<!tpu.dma_semaphore, #tpu.memory_space<semaphore_mem>>) src(%arg7 : memref<100x8xf32, #tpu.memory_space<vmem>>) dst(%dma_wait3A_79 : memref<10112x8xf32, #tpu.memory_space<vmem_shared>>)
      } else {
      }
    }
    %scan3A_7 = arith.constant 200 : i32
    %dma_wait3A_8 = arith.constant 0 : i32
    %dma_wait3A_9 = arith.constant 0 : i32
    %dma_wait3A_10 = tpu.memref_slice %arg6[%dma_wait3A_8, %dma_wait3A_9] : memref<200x100xi32, #tpu.memory_space<vmem>> -> memref<1x100xi32, #tpu.memory_space<vmem>>
    %dma_wait3A_11 = tpu.memref_squeeze %dma_wait3A_10 : memref<1x100xi32, #tpu.memory_space<vmem>> -> memref<100xi32, #tpu.memory_space<vmem>>
    %dma_wait3A_12 = arith.constant 0 : i32
    %dma_wait3A_13 = arith.constant 0 : i32
    %dma_wait3A_14 = tpu.memref_slice %arg8[%dma_wait3A_12, %dma_wait3A_13] : memref<10112x8xf32, #tpu.memory_space<vmem_shared>> -> memref<10112x8xf32, #tpu.memory_space<vmem_shared>>
    tpu.wait_indirect_dma semaphore(%arg9 : memref<!tpu.dma_semaphore, #tpu.memory_space<semaphore_mem>>) src(%arg7 : memref<100x8xf32, #tpu.memory_space<vmem>>) dst(%dma_wait3A_14 : memref<10112x8xf32, #tpu.memory_space<vmem_shared>>)
    %dma_wait3A_15 = arith.constant 1 : i32
    %dma_wait3A_16 = arith.constant 0 : i32
    %dma_wait3A_17 = tpu.memref_slice %arg6[%dma_wait3A_15, %dma_wait3A_16] : memref<200x100xi32, #tpu.memory_space<vmem>> -> memref<1x100xi32, #tpu.memory_space<vmem>>
    %dma_wait3A_18 = tpu.memref_squeeze %dma_wait3A_17 : memref<1x100xi32, #tpu.memory_space<vmem>> -> memref<100xi32, #tpu.memory_space<vmem>>
    %dma_wait3A_19 = arith.constant 0 : i32
    %dma_wait3A_20 = arith.constant 0 : i32
    %dma_wait3A_21 = tpu.memref_slice %arg8[%dma_wait3A_19, %dma_wait3A_20] : memref<10112x8xf32, #tpu.memory_space<vmem_shared>> -> memref<10112x8xf32, #tpu.memory_space<vmem_shared>>
    tpu.wait_indirect_dma semaphore(%arg9 : memref<!tpu.dma_semaphore, #tpu.memory_space<semaphore_mem>>) src(%arg7 : memref<100x8xf32, #tpu.memory_space<vmem>>) dst(%dma_wait3A_21 : memref<10112x8xf32, #tpu.memory_space<vmem_shared>>)
    %dma_wait3A_22 = arith.constant 2 : i32
    %dma_wait3A_23 = arith.constant 0 : i32
    %dma_wait3A_24 = tpu.memref_slice %arg6[%dma_wait3A_22, %dma_wait3A_23] : memref<200x100xi32, #tpu.memory_space<vmem>> -> memref<1x100xi32, #tpu.memory_space<vmem>>
    %dma_wait3A_25 = tpu.memref_squeeze %dma_wait3A_24 : memref<1x100xi32, #tpu.memory_space<vmem>> -> memref<100xi32, #tpu.memory_space<vmem>>
    %dma_wait3A_26 = arith.constant 0 : i32
    %dma_wait3A_27 = arith.constant 0 : i32
    %dma_wait3A_28 = tpu.memref_slice %arg8[%dma_wait3A_26, %dma_wait3A_27] : memref<10112x8xf32, #tpu.memory_space<vmem_shared>> -> memref<10112x8xf32, #tpu.memory_space<vmem_shared>>
    tpu.wait_indirect_dma semaphore(%arg9 : memref<!tpu.dma_semaphore, #tpu.memory_space<semaphore_mem>>) src(%arg7 : memref<100x8xf32, #tpu.memory_space<vmem>>) dst(%dma_wait3A_28 : memref<10112x8xf32, #tpu.memory_space<vmem_shared>>)
    %dma_wait3A_29 = arith.constant 3 : i32
    %dma_wait3A_30 = arith.constant 0 : i32
    %dma_wait3A_31 = tpu.memref_slice %arg6[%dma_wait3A_29, %dma_wait3A_30] : memref<200x100xi32, #tpu.memory_space<vmem>> -> memref<1x100xi32, #tpu.memory_space<vmem>>
    %dma_wait3A_32 = tpu.memref_squeeze %dma_wait3A_31 : memref<1x100xi32, #tpu.memory_space<vmem>> -> memref<100xi32, #tpu.memory_space<vmem>>
    %dma_wait3A_33 = arith.constant 0 : i32
    %dma_wait3A_34 = arith.constant 0 : i32
    %dma_wait3A_35 = tpu.memref_slice %arg8[%dma_wait3A_33, %dma_wait3A_34] : memref<10112x8xf32, #tpu.memory_space<vmem_shared>> -> memref<10112x8xf32, #tpu.memory_space<vmem_shared>>
    tpu.wait_indirect_dma semaphore(%arg9 : memref<!tpu.dma_semaphore, #tpu.memory_space<semaphore_mem>>) src(%arg7 : memref<100x8xf32, #tpu.memory_space<vmem>>) dst(%dma_wait3A_35 : memref<10112x8xf32, #tpu.memory_space<vmem_shared>>)
    %dma_wait3A_36 = arith.constant 4 : i32
    %dma_wait3A_37 = arith.constant 0 : i32
    %dma_wait3A_38 = tpu.memref_slice %arg6[%dma_wait3A_36, %dma_wait3A_37] : memref<200x100xi32, #tpu.memory_space<vmem>> -> memref<1x100xi32, #tpu.memory_space<vmem>>
    %dma_wait3A_39 = tpu.memref_squeeze %dma_wait3A_38 : memref<1x100xi32, #tpu.memory_space<vmem>> -> memref<100xi32, #tpu.memory_space<vmem>>
    %dma_wait3A_40 = arith.constant 0 : i32
    %dma_wait3A_41 = arith.constant 0 : i32
    %dma_wait3A_42 = tpu.memref_slice %arg8[%dma_wait3A_40, %dma_wait3A_41] : memref<10112x8xf32, #tpu.memory_space<vmem_shared>> -> memref<10112x8xf32, #tpu.memory_space<vmem_shared>>
    tpu.wait_indirect_dma semaphore(%arg9 : memref<!tpu.dma_semaphore, #tpu.memory_space<semaphore_mem>>) src(%arg7 : memref<100x8xf32, #tpu.memory_space<vmem>>) dst(%dma_wait3A_42 : memref<10112x8xf32, #tpu.memory_space<vmem_shared>>)
    %dma_wait3A_43 = arith.constant 5 : i32
    %dma_wait3A_44 = arith.constant 0 : i32
    %dma_wait3A_45 = tpu.memref_slice %arg6[%dma_wait3A_43, %dma_wait3A_44] : memref<200x100xi32, #tpu.memory_space<vmem>> -> memref<1x100xi32, #tpu.memory_space<vmem>>
    %dma_wait3A_46 = tpu.memref_squeeze %dma_wait3A_45 : memref<1x100xi32, #tpu.memory_space<vmem>> -> memref<100xi32, #tpu.memory_space<vmem>>
    %dma_wait3A_47 = arith.constant 0 : i32
    %dma_wait3A_48 = arith.constant 0 : i32
    %dma_wait3A_49 = tpu.memref_slice %arg8[%dma_wait3A_47, %dma_wait3A_48] : memref<10112x8xf32, #tpu.memory_space<vmem_shared>> -> memref<10112x8xf32, #tpu.memory_space<vmem_shared>>
    tpu.wait_indirect_dma semaphore(%arg9 : memref<!tpu.dma_semaphore, #tpu.memory_space<semaphore_mem>>) src(%arg7 : memref<100x8xf32, #tpu.memory_space<vmem>>) dst(%dma_wait3A_49 : memref<10112x8xf32, #tpu.memory_space<vmem_shared>>)
    %dma_wait3A_50 = arith.constant 6 : i32
    %dma_wait3A_51 = arith.constant 0 : i32
    %dma_wait3A_52 = tpu.memref_slice %arg6[%dma_wait3A_50, %dma_wait3A_51] : memref<200x100xi32, #tpu.memory_space<vmem>> -> memref<1x100xi32, #tpu.memory_space<vmem>>
    %dma_wait3A_53 = tpu.memref_squeeze %dma_wait3A_52 : memref<1x100xi32, #tpu.memory_space<vmem>> -> memref<100xi32, #tpu.memory_space<vmem>>
    %dma_wait3A_54 = arith.constant 0 : i32
    %dma_wait3A_55 = arith.constant 0 : i32
    %dma_wait3A_56 = tpu.memref_slice %arg8[%dma_wait3A_54, %dma_wait3A_55] : memref<10112x8xf32, #tpu.memory_space<vmem_shared>> -> memref<10112x8xf32, #tpu.memory_space<vmem_shared>>
    tpu.wait_indirect_dma semaphore(%arg9 : memref<!tpu.dma_semaphore, #tpu.memory_space<semaphore_mem>>) src(%arg7 : memref<100x8xf32, #tpu.memory_space<vmem>>) dst(%dma_wait3A_56 : memref<10112x8xf32, #tpu.memory_space<vmem_shared>>)
    %dma_wait3A_57 = arith.constant 7 : i32
    %dma_wait3A_58 = arith.constant 0 : i32
    %dma_wait3A_59 = tpu.memref_slice %arg6[%dma_wait3A_57, %dma_wait3A_58] : memref<200x100xi32, #tpu.memory_space<vmem>> -> memref<1x100xi32, #tpu.memory_space<vmem>>
    %dma_wait3A_60 = tpu.memref_squeeze %dma_wait3A_59 : memref<1x100xi32, #tpu.memory_space<vmem>> -> memref<100xi32, #tpu.memory_space<vmem>>
    %dma_wait3A_61 = arith.constant 0 : i32
    %dma_wait3A_62 = arith.constant 0 : i32
    %dma_wait3A_63 = tpu.memref_slice %arg8[%dma_wait3A_61, %dma_wait3A_62] : memref<10112x8xf32, #tpu.memory_space<vmem_shared>> -> memref<10112x8xf32, #tpu.memory_space<vmem_shared>>
    tpu.wait_indirect_dma semaphore(%arg9 : memref<!tpu.dma_semaphore, #tpu.memory_space<semaphore_mem>>) src(%arg7 : memref<100x8xf32, #tpu.memory_space<vmem>>) dst(%dma_wait3A_63 : memref<10112x8xf32, #tpu.memory_space<vmem_shared>>)
    %barrier3A_64 = arith.constant 0 : index
    tpu.barrier barrier_id(%barrier3A_64)
    "tpu.region"() ({
      %run_scoped3A = tpu.sem_alloc : memref<!tpu.dma_semaphore, #tpu.memory_space<semaphore_mem>>
      %dma_start3A_65 = arith.constant 0 : i32
      %dma_start3A_66 = tpu.memref_slice %arg5[%arg0, %mul3A_0, %dma_start3A_65] : memref<2x10112x8xf32, #tpu.memory_space<hbm>> -> memref<1x632x8xf32, #tpu.memory_space<hbm>>
      %dma_start3A_67 = tpu.memref_squeeze %dma_start3A_66 : memref<1x632x8xf32, #tpu.memory_space<hbm>> -> memref<632x8xf32, #tpu.memory_space<hbm>>
      %dma_start3A_68 = arith.constant 0 : i32
      %dma_start3A_69 = tpu.memref_slice %arg8[%mul3A_0, %dma_start3A_68] : memref<10112x8xf32, #tpu.memory_space<vmem_shared>> -> memref<632x8xf32, #tpu.memory_space<vmem_shared>>
      tpu.enqueue_dma source(%dma_start3A_69 : memref<632x8xf32, #tpu.memory_space<vmem_shared>>) target(%dma_start3A_67 : memref<632x8xf32, #tpu.memory_space<hbm>>) target_semaphore(%run_scoped3A : memref<!tpu.dma_semaphore, #tpu.memory_space<semaphore_mem>>)
      %dma_wait3A_70 = arith.constant 0 : i32
      %dma_wait3A_71 = tpu.memref_slice %arg5[%arg0, %mul3A_0, %dma_wait3A_70] : memref<2x10112x8xf32, #tpu.memory_space<hbm>> -> memref<1x632x8xf32, #tpu.memory_space<hbm>>
      %dma_wait3A_72 = tpu.memref_squeeze %dma_wait3A_71 : memref<1x632x8xf32, #tpu.memory_space<hbm>> -> memref<632x8xf32, #tpu.memory_space<hbm>>
      %dma_wait3A_73 = arith.constant 0 : i32
      %dma_wait3A_74 = tpu.memref_slice %arg8[%mul3A_0, %dma_wait3A_73] : memref<10112x8xf32, #tpu.memory_space<vmem_shared>> -> memref<632x8xf32, #tpu.memory_space<vmem_shared>>
      tpu.wait_dma2 semaphore(%run_scoped3A : memref<!tpu.dma_semaphore, #tpu.memory_space<semaphore_mem>>) src(%dma_wait3A_74 : memref<632x8xf32, #tpu.memory_space<vmem_shared>>) dst(%dma_wait3A_72 : memref<632x8xf32, #tpu.memory_space<hbm>>)
      tpu.yield
    }) : () -> ()
    return
  }
}

#map = affine_map<(d0, d1) -> (0, 0)>
#map1 = affine_map<(d0, d1) -> (0, 0, 0)>
#map2 = affine_map<(d0, d1) -> (0, 0, 0, 0)>
module attributes {stable_mosaic.version = 14 : i64} {
  func.func @_agg_body(%arg0: i32, %arg1: i32, %arg2: memref<10000x128xf32, #tpu.memory_space<hbm>>, %arg3: memref<2x16x10000xi32, #tpu.memory_space<hbm>>, %arg4: memref<2x16x125x80xi32, #tpu.memory_space<hbm>>, %arg5: memref<632x128xf32, #tpu.memory_space<hbm>>, %arg6: memref<2x10112x128xf32, #tpu.memory_space<hbm>>, %arg7: memref<10000xi32, #tpu.memory_space<vmem>>, %arg8: memref<125x80xi32, #tpu.memory_space<vmem>>, %arg9: memref<80x128xf32, #tpu.memory_space<vmem>>, %arg10: memref<80x128xf32, #tpu.memory_space<vmem>>, %arg11: memref<10112x128xf32, #tpu.memory_space<vmem_shared>>, %arg12: memref<!tpu.dma_semaphore, #tpu.memory_space<semaphore_mem>>, %arg13: memref<!tpu.dma_semaphore, #tpu.memory_space<semaphore_mem>>, %arg14: memref<!tpu.dma_semaphore, #tpu.memory_space<semaphore_mem>>, %arg15: memref<!tpu.dma_semaphore, #tpu.memory_space<semaphore_mem>>) attributes {dimension_semantics = [#tpu.dimension_semantics<core_parallel>, #tpu.dimension_semantics<subcore_parallel>], iteration_bounds = array<i64: 2, 16>, scalar_prefetch = 0 : i64, scratch_operands = 9 : i64, tpu.core_type = #tpu.core_type<sc_vector_subcore>, window_params = [{transform_indices = #map}, {transform_indices = #map1}, {transform_indices = #map2}, {transform_indices = #map}, {transform_indices = #map1}]} {
    %mul3A = arith.constant 632 : i32
    %mul3A_0 = arith.muli %arg1, %mul3A : i32
    %dma_start3A = arith.constant 0 : i32
    %dma_start3A_1 = tpu.memref_slice %arg11[%mul3A_0, %dma_start3A] : memref<10112x128xf32, #tpu.memory_space<vmem_shared>> -> memref<632x128xf32, #tpu.memory_space<vmem_shared>>
    tpu.enqueue_dma source(%arg5 : memref<632x128xf32, #tpu.memory_space<hbm>>) target(%dma_start3A_1 : memref<632x128xf32, #tpu.memory_space<vmem_shared>>) target_semaphore(%arg13 : memref<!tpu.dma_semaphore, #tpu.memory_space<semaphore_mem>>)
    "tpu.region"() ({
      %run_scoped3A = tpu.sem_alloc : memref<!tpu.dma_semaphore, #tpu.memory_space<semaphore_mem>>
      %dma_start3A_21 = arith.constant 0 : i32
      %dma_start3A_22 = tpu.memref_slice %arg3[%arg0, %arg1, %dma_start3A_21] : memref<2x16x10000xi32, #tpu.memory_space<hbm>> -> memref<1x1x10000xi32, #tpu.memory_space<hbm>>
      %dma_start3A_23 = tpu.memref_squeeze %dma_start3A_22 : memref<1x1x10000xi32, #tpu.memory_space<hbm>> -> memref<10000xi32, #tpu.memory_space<hbm>>
      %dma_start3A_24 = arith.constant 0 : i32
      %dma_start3A_25 = tpu.memref_slice %arg3[%arg0, %arg1, %dma_start3A_24] : memref<2x16x10000xi32, #tpu.memory_space<hbm>> -> memref<1x1x10000xi32, #tpu.memory_space<hbm>>
      %dma_start3A_26 = tpu.memref_squeeze %dma_start3A_25 : memref<1x1x10000xi32, #tpu.memory_space<hbm>> -> memref<10000xi32, #tpu.memory_space<hbm>>
      tpu.enqueue_dma source(%dma_start3A_26 : memref<10000xi32, #tpu.memory_space<hbm>>) target(%arg7 : memref<10000xi32, #tpu.memory_space<vmem>>) target_semaphore(%run_scoped3A : memref<!tpu.dma_semaphore, #tpu.memory_space<semaphore_mem>>)
      %dma_wait3A_27 = arith.constant 0 : i32
      %dma_wait3A_28 = tpu.memref_slice %arg3[%arg0, %arg1, %dma_wait3A_27] : memref<2x16x10000xi32, #tpu.memory_space<hbm>> -> memref<1x1x10000xi32, #tpu.memory_space<hbm>>
      %dma_wait3A_29 = tpu.memref_squeeze %dma_wait3A_28 : memref<1x1x10000xi32, #tpu.memory_space<hbm>> -> memref<10000xi32, #tpu.memory_space<hbm>>
      %dma_wait3A_30 = arith.constant 0 : i32
      %dma_wait3A_31 = tpu.memref_slice %arg3[%arg0, %arg1, %dma_wait3A_30] : memref<2x16x10000xi32, #tpu.memory_space<hbm>> -> memref<1x1x10000xi32, #tpu.memory_space<hbm>>
      %dma_wait3A_32 = tpu.memref_squeeze %dma_wait3A_31 : memref<1x1x10000xi32, #tpu.memory_space<hbm>> -> memref<10000xi32, #tpu.memory_space<hbm>>
      tpu.wait_dma2 semaphore(%run_scoped3A : memref<!tpu.dma_semaphore, #tpu.memory_space<semaphore_mem>>) src(%dma_wait3A_32 : memref<10000xi32, #tpu.memory_space<hbm>>) dst(%arg7 : memref<10000xi32, #tpu.memory_space<vmem>>)
      tpu.yield
    }) : () -> ()
    "tpu.region"() ({
      %run_scoped3A = tpu.sem_alloc : memref<!tpu.dma_semaphore, #tpu.memory_space<semaphore_mem>>
      %dma_start3A_21 = arith.constant 0 : i32
      %dma_start3A_22 = arith.constant 0 : i32
      %dma_start3A_23 = tpu.memref_slice %arg4[%arg0, %arg1, %dma_start3A_21, %dma_start3A_22] : memref<2x16x125x80xi32, #tpu.memory_space<hbm>> -> memref<1x1x125x80xi32, #tpu.memory_space<hbm>>
      %dma_start3A_24 = tpu.memref_squeeze %dma_start3A_23 : memref<1x1x125x80xi32, #tpu.memory_space<hbm>> -> memref<125x80xi32, #tpu.memory_space<hbm>>
      %dma_start3A_25 = arith.constant 0 : i32
      %dma_start3A_26 = arith.constant 0 : i32
      %dma_start3A_27 = tpu.memref_slice %arg4[%arg0, %arg1, %dma_start3A_25, %dma_start3A_26] : memref<2x16x125x80xi32, #tpu.memory_space<hbm>> -> memref<1x1x125x80xi32, #tpu.memory_space<hbm>>
      %dma_start3A_28 = tpu.memref_squeeze %dma_start3A_27 : memref<1x1x125x80xi32, #tpu.memory_space<hbm>> -> memref<125x80xi32, #tpu.memory_space<hbm>>
      tpu.enqueue_dma source(%dma_start3A_28 : memref<125x80xi32, #tpu.memory_space<hbm>>) target(%arg8 : memref<125x80xi32, #tpu.memory_space<vmem>>) target_semaphore(%run_scoped3A : memref<!tpu.dma_semaphore, #tpu.memory_space<semaphore_mem>>)
      %dma_wait3A_29 = arith.constant 0 : i32
      %dma_wait3A_30 = arith.constant 0 : i32
      %dma_wait3A_31 = tpu.memref_slice %arg4[%arg0, %arg1, %dma_wait3A_29, %dma_wait3A_30] : memref<2x16x125x80xi32, #tpu.memory_space<hbm>> -> memref<1x1x125x80xi32, #tpu.memory_space<hbm>>
      %dma_wait3A_32 = tpu.memref_squeeze %dma_wait3A_31 : memref<1x1x125x80xi32, #tpu.memory_space<hbm>> -> memref<125x80xi32, #tpu.memory_space<hbm>>
      %dma_wait3A_33 = arith.constant 0 : i32
      %dma_wait3A_34 = arith.constant 0 : i32
      %dma_wait3A_35 = tpu.memref_slice %arg4[%arg0, %arg1, %dma_wait3A_33, %dma_wait3A_34] : memref<2x16x125x80xi32, #tpu.memory_space<hbm>> -> memref<1x1x125x80xi32, #tpu.memory_space<hbm>>
      %dma_wait3A_36 = tpu.memref_squeeze %dma_wait3A_35 : memref<1x1x125x80xi32, #tpu.memory_space<hbm>> -> memref<125x80xi32, #tpu.memory_space<hbm>>
      tpu.wait_dma2 semaphore(%run_scoped3A : memref<!tpu.dma_semaphore, #tpu.memory_space<semaphore_mem>>) src(%dma_wait3A_36 : memref<125x80xi32, #tpu.memory_space<hbm>>) dst(%arg8 : memref<125x80xi32, #tpu.memory_space<vmem>>)
      tpu.yield
    }) : () -> ()
    %dma_wait3A = arith.constant 0 : i32
    %dma_wait3A_2 = tpu.memref_slice %arg11[%mul3A_0, %dma_wait3A] : memref<10112x128xf32, #tpu.memory_space<vmem_shared>> -> memref<632x128xf32, #tpu.memory_space<vmem_shared>>
    tpu.wait_dma2 semaphore(%arg13 : memref<!tpu.dma_semaphore, #tpu.memory_space<semaphore_mem>>) src(%arg5 : memref<632x128xf32, #tpu.memory_space<hbm>>) dst(%dma_wait3A_2 : memref<632x128xf32, #tpu.memory_space<vmem_shared>>)
    %dma_start3A_3 = arith.constant 0 : i32
    %dma_start3A_4 = tpu.memref_slice %arg7[%dma_start3A_3] : memref<10000xi32, #tpu.memory_space<vmem>> -> memref<80xi32, #tpu.memory_space<vmem>>
    %dma_start3A_5 = arith.constant 0 : i32
    %dma_start3A_6 = arith.constant 0 : i32
    %dma_start3A_7 = tpu.memref_slice %arg2[%dma_start3A_5, %dma_start3A_6] : memref<10000x128xf32, #tpu.memory_space<hbm>> -> memref<10000x128xf32, #tpu.memory_space<hbm>>
    tpu.enqueue_indirect_dma source(%dma_start3A_7 : memref<10000x128xf32, #tpu.memory_space<hbm>>) target(%arg9 : memref<80x128xf32, #tpu.memory_space<vmem>>) offsets(%dma_start3A_4 : memref<80xi32, #tpu.memory_space<vmem>>) semaphore(%arg12 : memref<!tpu.dma_semaphore, #tpu.memory_space<semaphore_mem>>)
    %barrier3A = arith.constant 0 : index
    tpu.barrier barrier_id(%barrier3A)
    %scan3A = arith.constant 0 : i32
    %scan3A_8 = arith.constant 0 : i32
    %scan3A_9 = arith.constant 63 : i32
    %scan3A_10 = arith.addi %scan3A_8, %scan3A_9 : i32
    %scan3A_11 = arith.constant 1 : i32
    scf.for %scan3A_21 = %scan3A_8 to %scan3A_10 step %scan3A_11  : i32 {
      %mul3A_22 = arith.constant 2 : i32
      %mul3A_23 = arith.muli %mul3A_22, %scan3A_21 : i32
      %add3A = arith.constant 1 : i32
      %add3A_24 = arith.addi %mul3A_23, %add3A : i32
      %mul3A_25 = arith.constant 80 : i32
      %mul3A_26 = arith.muli %mul3A_23, %mul3A_25 : i32
      %dma_wait3A_27 = tpu.memref_slice %arg7[%mul3A_26] : memref<10000xi32, #tpu.memory_space<vmem>> -> memref<80xi32, #tpu.memory_space<vmem>>
      %dma_wait3A_28 = arith.constant 0 : i32
      %dma_wait3A_29 = arith.constant 0 : i32
      %dma_wait3A_30 = tpu.memref_slice %arg2[%dma_wait3A_28, %dma_wait3A_29] : memref<10000x128xf32, #tpu.memory_space<hbm>> -> memref<10000x128xf32, #tpu.memory_space<hbm>>
      tpu.wait_indirect_dma semaphore(%arg12 : memref<!tpu.dma_semaphore, #tpu.memory_space<semaphore_mem>>) src(%dma_wait3A_30 : memref<10000x128xf32, #tpu.memory_space<hbm>>) dst(%arg9 : memref<80x128xf32, #tpu.memory_space<vmem>>)
      %dma_start3A_31 = arith.constant 0 : i32
      %dma_start3A_32 = tpu.memref_slice %arg8[%mul3A_23, %dma_start3A_31] : memref<125x80xi32, #tpu.memory_space<vmem>> -> memref<1x80xi32, #tpu.memory_space<vmem>>
      %dma_start3A_33 = tpu.memref_squeeze %dma_start3A_32 : memref<1x80xi32, #tpu.memory_space<vmem>> -> memref<80xi32, #tpu.memory_space<vmem>>
      %dma_start3A_34 = arith.constant 0 : i32
      %dma_start3A_35 = arith.constant 0 : i32
      %dma_start3A_36 = tpu.memref_slice %arg11[%dma_start3A_34, %dma_start3A_35] : memref<10112x128xf32, #tpu.memory_space<vmem_shared>> -> memref<10112x128xf32, #tpu.memory_space<vmem_shared>>
      tpu.enqueue_indirect_dma source(%arg9 : memref<80x128xf32, #tpu.memory_space<vmem>>) target(%dma_start3A_36 : memref<10112x128xf32, #tpu.memory_space<vmem_shared>>) offsets(%dma_start3A_33 : memref<80xi32, #tpu.memory_space<vmem>>) semaphore(%arg14 : memref<!tpu.dma_semaphore, #tpu.memory_space<semaphore_mem>>) {add = true}
      %gt3A = arith.constant 0 : i32
      %gt3A_37 = arith.cmpi sgt, %scan3A_21, %gt3A : i32
      %convert_element_type3A = arith.extui %gt3A_37 : i1 to i32
      %cond3A = arith.constant 0 : i32
      %cond3A_38 = arith.cmpi ne, %convert_element_type3A, %cond3A : i32
      scf.if %cond3A_38 {
        %sub3A = arith.constant 1 : i32
        %sub3A_48 = arith.subi %mul3A_23, %sub3A : i32
        %dma_wait3A_49 = arith.constant 0 : i32
        %dma_wait3A_50 = tpu.memref_slice %arg8[%sub3A_48, %dma_wait3A_49] : memref<125x80xi32, #tpu.memory_space<vmem>> -> memref<1x80xi32, #tpu.memory_space<vmem>>
        %dma_wait3A_51 = tpu.memref_squeeze %dma_wait3A_50 : memref<1x80xi32, #tpu.memory_space<vmem>> -> memref<80xi32, #tpu.memory_space<vmem>>
        %dma_wait3A_52 = arith.constant 0 : i32
        %dma_wait3A_53 = arith.constant 0 : i32
        %dma_wait3A_54 = tpu.memref_slice %arg11[%dma_wait3A_52, %dma_wait3A_53] : memref<10112x128xf32, #tpu.memory_space<vmem_shared>> -> memref<10112x128xf32, #tpu.memory_space<vmem_shared>>
        tpu.wait_indirect_dma semaphore(%arg15 : memref<!tpu.dma_semaphore, #tpu.memory_space<semaphore_mem>>) src(%arg10 : memref<80x128xf32, #tpu.memory_space<vmem>>) dst(%dma_wait3A_54 : memref<10112x128xf32, #tpu.memory_space<vmem_shared>>)
      } else {
      }
      %lt3A = arith.constant 125 : i32
      %lt3A_39 = arith.cmpi slt, %add3A_24, %lt3A : i32
      %convert_element_type3A_40 = arith.extui %lt3A_39 : i1 to i32
      %cond3A_41 = arith.constant 0 : i32
      %cond3A_42 = arith.cmpi ne, %convert_element_type3A_40, %cond3A_41 : i32
      scf.if %cond3A_42 {
        %mul3A_48 = arith.constant 80 : i32
        %mul3A_49 = arith.muli %add3A_24, %mul3A_48 : i32
        %dma_start3A_50 = tpu.memref_slice %arg7[%mul3A_49] : memref<10000xi32, #tpu.memory_space<vmem>> -> memref<80xi32, #tpu.memory_space<vmem>>
        %dma_start3A_51 = arith.constant 0 : i32
        %dma_start3A_52 = arith.constant 0 : i32
        %dma_start3A_53 = tpu.memref_slice %arg2[%dma_start3A_51, %dma_start3A_52] : memref<10000x128xf32, #tpu.memory_space<hbm>> -> memref<10000x128xf32, #tpu.memory_space<hbm>>
        tpu.enqueue_indirect_dma source(%dma_start3A_53 : memref<10000x128xf32, #tpu.memory_space<hbm>>) target(%arg10 : memref<80x128xf32, #tpu.memory_space<vmem>>) offsets(%dma_start3A_50 : memref<80xi32, #tpu.memory_space<vmem>>) semaphore(%arg13 : memref<!tpu.dma_semaphore, #tpu.memory_space<semaphore_mem>>)
      } else {
      }
      %lt3A_43 = arith.constant 125 : i32
      %lt3A_44 = arith.cmpi slt, %add3A_24, %lt3A_43 : i32
      %convert_element_type3A_45 = arith.extui %lt3A_44 : i1 to i32
      %cond3A_46 = arith.constant 0 : i32
      %cond3A_47 = arith.cmpi ne, %convert_element_type3A_45, %cond3A_46 : i32
      scf.if %cond3A_47 {
        %mul3A_48 = arith.constant 80 : i32
        %mul3A_49 = arith.muli %add3A_24, %mul3A_48 : i32
        %dma_wait3A_50 = tpu.memref_slice %arg7[%mul3A_49] : memref<10000xi32, #tpu.memory_space<vmem>> -> memref<80xi32, #tpu.memory_space<vmem>>
        %dma_wait3A_51 = arith.constant 0 : i32
        %dma_wait3A_52 = arith.constant 0 : i32
        %dma_wait3A_53 = tpu.memref_slice %arg2[%dma_wait3A_51, %dma_wait3A_52] : memref<10000x128xf32, #tpu.memory_space<hbm>> -> memref<10000x128xf32, #tpu.memory_space<hbm>>
        tpu.wait_indirect_dma semaphore(%arg13 : memref<!tpu.dma_semaphore, #tpu.memory_space<semaphore_mem>>) src(%dma_wait3A_53 : memref<10000x128xf32, #tpu.memory_space<hbm>>) dst(%arg10 : memref<80x128xf32, #tpu.memory_space<vmem>>)
        %dma_start3A_54 = arith.constant 0 : i32
        %dma_start3A_55 = tpu.memref_slice %arg8[%add3A_24, %dma_start3A_54] : memref<125x80xi32, #tpu.memory_space<vmem>> -> memref<1x80xi32, #tpu.memory_space<vmem>>
        %dma_start3A_56 = tpu.memref_squeeze %dma_start3A_55 : memref<1x80xi32, #tpu.memory_space<vmem>> -> memref<80xi32, #tpu.memory_space<vmem>>
        %dma_start3A_57 = arith.constant 0 : i32
        %dma_start3A_58 = arith.constant 0 : i32
        %dma_start3A_59 = tpu.memref_slice %arg11[%dma_start3A_57, %dma_start3A_58] : memref<10112x128xf32, #tpu.memory_space<vmem_shared>> -> memref<10112x128xf32, #tpu.memory_space<vmem_shared>>
        tpu.enqueue_indirect_dma source(%arg10 : memref<80x128xf32, #tpu.memory_space<vmem>>) target(%dma_start3A_59 : memref<10112x128xf32, #tpu.memory_space<vmem_shared>>) offsets(%dma_start3A_56 : memref<80xi32, #tpu.memory_space<vmem>>) semaphore(%arg15 : memref<!tpu.dma_semaphore, #tpu.memory_space<semaphore_mem>>) {add = true}
        %dma_wait3A_60 = arith.constant 0 : i32
        %dma_wait3A_61 = tpu.memref_slice %arg8[%mul3A_23, %dma_wait3A_60] : memref<125x80xi32, #tpu.memory_space<vmem>> -> memref<1x80xi32, #tpu.memory_space<vmem>>
        %dma_wait3A_62 = tpu.memref_squeeze %dma_wait3A_61 : memref<1x80xi32, #tpu.memory_space<vmem>> -> memref<80xi32, #tpu.memory_space<vmem>>
        %dma_wait3A_63 = arith.constant 0 : i32
        %dma_wait3A_64 = arith.constant 0 : i32
        %dma_wait3A_65 = tpu.memref_slice %arg11[%dma_wait3A_63, %dma_wait3A_64] : memref<10112x128xf32, #tpu.memory_space<vmem_shared>> -> memref<10112x128xf32, #tpu.memory_space<vmem_shared>>
        tpu.wait_indirect_dma semaphore(%arg14 : memref<!tpu.dma_semaphore, #tpu.memory_space<semaphore_mem>>) src(%arg9 : memref<80x128xf32, #tpu.memory_space<vmem>>) dst(%dma_wait3A_65 : memref<10112x128xf32, #tpu.memory_space<vmem_shared>>)
        %add3A_66 = arith.constant 1 : i32
        %add3A_67 = arith.addi %add3A_24, %add3A_66 : i32
        %lt3A_68 = arith.constant 125 : i32
        %lt3A_69 = arith.cmpi slt, %add3A_67, %lt3A_68 : i32
        %convert_element_type3A_70 = arith.extui %lt3A_69 : i1 to i32
        %cond3A_71 = arith.constant 0 : i32
        %cond3A_72 = arith.cmpi ne, %convert_element_type3A_70, %cond3A_71 : i32
        scf.if %cond3A_72 {
          %add3A_73 = arith.constant 1 : i32
          %add3A_74 = arith.addi %add3A_24, %add3A_73 : i32
          %mul3A_75 = arith.constant 80 : i32
          %mul3A_76 = arith.muli %add3A_74, %mul3A_75 : i32
          %dma_start3A_77 = tpu.memref_slice %arg7[%mul3A_76] : memref<10000xi32, #tpu.memory_space<vmem>> -> memref<80xi32, #tpu.memory_space<vmem>>
          %dma_start3A_78 = arith.constant 0 : i32
          %dma_start3A_79 = arith.constant 0 : i32
          %dma_start3A_80 = tpu.memref_slice %arg2[%dma_start3A_78, %dma_start3A_79] : memref<10000x128xf32, #tpu.memory_space<hbm>> -> memref<10000x128xf32, #tpu.memory_space<hbm>>
          tpu.enqueue_indirect_dma source(%dma_start3A_80 : memref<10000x128xf32, #tpu.memory_space<hbm>>) target(%arg9 : memref<80x128xf32, #tpu.memory_space<vmem>>) offsets(%dma_start3A_77 : memref<80xi32, #tpu.memory_space<vmem>>) semaphore(%arg12 : memref<!tpu.dma_semaphore, #tpu.memory_space<semaphore_mem>>)
        } else {
        }
      } else {
      }
    }
    %scan3A_12 = arith.constant 63 : i32
    %dma_wait3A_13 = arith.constant 124 : i32
    %dma_wait3A_14 = arith.constant 0 : i32
    %dma_wait3A_15 = tpu.memref_slice %arg8[%dma_wait3A_13, %dma_wait3A_14] : memref<125x80xi32, #tpu.memory_space<vmem>> -> memref<1x80xi32, #tpu.memory_space<vmem>>
    %dma_wait3A_16 = tpu.memref_squeeze %dma_wait3A_15 : memref<1x80xi32, #tpu.memory_space<vmem>> -> memref<80xi32, #tpu.memory_space<vmem>>
    %dma_wait3A_17 = arith.constant 0 : i32
    %dma_wait3A_18 = arith.constant 0 : i32
    %dma_wait3A_19 = tpu.memref_slice %arg11[%dma_wait3A_17, %dma_wait3A_18] : memref<10112x128xf32, #tpu.memory_space<vmem_shared>> -> memref<10112x128xf32, #tpu.memory_space<vmem_shared>>
    tpu.wait_indirect_dma semaphore(%arg14 : memref<!tpu.dma_semaphore, #tpu.memory_space<semaphore_mem>>) src(%arg9 : memref<80x128xf32, #tpu.memory_space<vmem>>) dst(%dma_wait3A_19 : memref<10112x128xf32, #tpu.memory_space<vmem_shared>>)
    %barrier3A_20 = arith.constant 0 : index
    tpu.barrier barrier_id(%barrier3A_20)
    "tpu.region"() ({
      %run_scoped3A = tpu.sem_alloc : memref<!tpu.dma_semaphore, #tpu.memory_space<semaphore_mem>>
      %dma_start3A_21 = arith.constant 0 : i32
      %dma_start3A_22 = tpu.memref_slice %arg6[%arg0, %mul3A_0, %dma_start3A_21] : memref<2x10112x128xf32, #tpu.memory_space<hbm>> -> memref<1x632x128xf32, #tpu.memory_space<hbm>>
      %dma_start3A_23 = tpu.memref_squeeze %dma_start3A_22 : memref<1x632x128xf32, #tpu.memory_space<hbm>> -> memref<632x128xf32, #tpu.memory_space<hbm>>
      %dma_start3A_24 = arith.constant 0 : i32
      %dma_start3A_25 = tpu.memref_slice %arg11[%mul3A_0, %dma_start3A_24] : memref<10112x128xf32, #tpu.memory_space<vmem_shared>> -> memref<632x128xf32, #tpu.memory_space<vmem_shared>>
      tpu.enqueue_dma source(%dma_start3A_25 : memref<632x128xf32, #tpu.memory_space<vmem_shared>>) target(%dma_start3A_23 : memref<632x128xf32, #tpu.memory_space<hbm>>) target_semaphore(%run_scoped3A : memref<!tpu.dma_semaphore, #tpu.memory_space<semaphore_mem>>)
      %dma_wait3A_26 = arith.constant 0 : i32
      %dma_wait3A_27 = tpu.memref_slice %arg6[%arg0, %mul3A_0, %dma_wait3A_26] : memref<2x10112x128xf32, #tpu.memory_space<hbm>> -> memref<1x632x128xf32, #tpu.memory_space<hbm>>
      %dma_wait3A_28 = tpu.memref_squeeze %dma_wait3A_27 : memref<1x632x128xf32, #tpu.memory_space<hbm>> -> memref<632x128xf32, #tpu.memory_space<hbm>>
      %dma_wait3A_29 = arith.constant 0 : i32
      %dma_wait3A_30 = tpu.memref_slice %arg11[%mul3A_0, %dma_wait3A_29] : memref<10112x128xf32, #tpu.memory_space<vmem_shared>> -> memref<632x128xf32, #tpu.memory_space<vmem_shared>>
      tpu.wait_dma2 semaphore(%run_scoped3A : memref<!tpu.dma_semaphore, #tpu.memory_space<semaphore_mem>>) src(%dma_wait3A_30 : memref<632x128xf32, #tpu.memory_space<vmem_shared>>) dst(%dma_wait3A_28 : memref<632x128xf32, #tpu.memory_space<hbm>>)
      tpu.yield
    }) : () -> ()
    return
  }
}

#map = affine_map<(d0, d1) -> (0, 0)>
#map1 = affine_map<(d0, d1) -> (0, 0, 0)>
#map2 = affine_map<(d0, d1) -> (0, 0, 0, 0)>
module attributes {stable_mosaic.version = 14 : i64} {
  func.func @_agg_body(%arg0: i32, %arg1: i32, %arg2: memref<10000x128xf32, #tpu.memory_space<hbm>>, %arg3: memref<2x16x10000xi32, #tpu.memory_space<hbm>>, %arg4: memref<2x16x125x80xi32, #tpu.memory_space<hbm>>, %arg5: memref<632x128xf32, #tpu.memory_space<hbm>>, %arg6: memref<2x10112x128xf32, #tpu.memory_space<hbm>>, %arg7: memref<10000xi32, #tpu.memory_space<vmem>>, %arg8: memref<125x80xi32, #tpu.memory_space<vmem>>, %arg9: memref<80x128xf32, #tpu.memory_space<vmem>>, %arg10: memref<80x128xf32, #tpu.memory_space<vmem>>, %arg11: memref<10112x128xf32, #tpu.memory_space<vmem_shared>>, %arg12: memref<!tpu.dma_semaphore, #tpu.memory_space<semaphore_mem>>, %arg13: memref<!tpu.dma_semaphore, #tpu.memory_space<semaphore_mem>>, %arg14: memref<!tpu.dma_semaphore, #tpu.memory_space<semaphore_mem>>, %arg15: memref<!tpu.dma_semaphore, #tpu.memory_space<semaphore_mem>>) attributes {dimension_semantics = [#tpu.dimension_semantics<core_parallel>, #tpu.dimension_semantics<subcore_parallel>], iteration_bounds = array<i64: 2, 16>, scalar_prefetch = 0 : i64, scratch_operands = 9 : i64, tpu.core_type = #tpu.core_type<sc_vector_subcore>, window_params = [{transform_indices = #map}, {transform_indices = #map1}, {transform_indices = #map2}, {transform_indices = #map}, {transform_indices = #map1}]} {
    %mul3A = arith.constant 632 : i32
    %mul3A_0 = arith.muli %arg1, %mul3A : i32
    %dma_start3A = arith.constant 0 : i32
    %dma_start3A_1 = tpu.memref_slice %arg11[%mul3A_0, %dma_start3A] : memref<10112x128xf32, #tpu.memory_space<vmem_shared>> -> memref<632x128xf32, #tpu.memory_space<vmem_shared>>
    tpu.enqueue_dma source(%arg5 : memref<632x128xf32, #tpu.memory_space<hbm>>) target(%dma_start3A_1 : memref<632x128xf32, #tpu.memory_space<vmem_shared>>) target_semaphore(%arg13 : memref<!tpu.dma_semaphore, #tpu.memory_space<semaphore_mem>>)
    "tpu.region"() ({
      %run_scoped3A = tpu.sem_alloc : memref<!tpu.dma_semaphore, #tpu.memory_space<semaphore_mem>>
      %dma_start3A_21 = arith.constant 0 : i32
      %dma_start3A_22 = tpu.memref_slice %arg3[%arg0, %arg1, %dma_start3A_21] : memref<2x16x10000xi32, #tpu.memory_space<hbm>> -> memref<1x1x10000xi32, #tpu.memory_space<hbm>>
      %dma_start3A_23 = tpu.memref_squeeze %dma_start3A_22 : memref<1x1x10000xi32, #tpu.memory_space<hbm>> -> memref<10000xi32, #tpu.memory_space<hbm>>
      %dma_start3A_24 = arith.constant 0 : i32
      %dma_start3A_25 = tpu.memref_slice %arg3[%arg0, %arg1, %dma_start3A_24] : memref<2x16x10000xi32, #tpu.memory_space<hbm>> -> memref<1x1x10000xi32, #tpu.memory_space<hbm>>
      %dma_start3A_26 = tpu.memref_squeeze %dma_start3A_25 : memref<1x1x10000xi32, #tpu.memory_space<hbm>> -> memref<10000xi32, #tpu.memory_space<hbm>>
      tpu.enqueue_dma source(%dma_start3A_26 : memref<10000xi32, #tpu.memory_space<hbm>>) target(%arg7 : memref<10000xi32, #tpu.memory_space<vmem>>) target_semaphore(%run_scoped3A : memref<!tpu.dma_semaphore, #tpu.memory_space<semaphore_mem>>)
      %dma_wait3A_27 = arith.constant 0 : i32
      %dma_wait3A_28 = tpu.memref_slice %arg3[%arg0, %arg1, %dma_wait3A_27] : memref<2x16x10000xi32, #tpu.memory_space<hbm>> -> memref<1x1x10000xi32, #tpu.memory_space<hbm>>
      %dma_wait3A_29 = tpu.memref_squeeze %dma_wait3A_28 : memref<1x1x10000xi32, #tpu.memory_space<hbm>> -> memref<10000xi32, #tpu.memory_space<hbm>>
      %dma_wait3A_30 = arith.constant 0 : i32
      %dma_wait3A_31 = tpu.memref_slice %arg3[%arg0, %arg1, %dma_wait3A_30] : memref<2x16x10000xi32, #tpu.memory_space<hbm>> -> memref<1x1x10000xi32, #tpu.memory_space<hbm>>
      %dma_wait3A_32 = tpu.memref_squeeze %dma_wait3A_31 : memref<1x1x10000xi32, #tpu.memory_space<hbm>> -> memref<10000xi32, #tpu.memory_space<hbm>>
      tpu.wait_dma2 semaphore(%run_scoped3A : memref<!tpu.dma_semaphore, #tpu.memory_space<semaphore_mem>>) src(%dma_wait3A_32 : memref<10000xi32, #tpu.memory_space<hbm>>) dst(%arg7 : memref<10000xi32, #tpu.memory_space<vmem>>)
      tpu.yield
    }) : () -> ()
    "tpu.region"() ({
      %run_scoped3A = tpu.sem_alloc : memref<!tpu.dma_semaphore, #tpu.memory_space<semaphore_mem>>
      %dma_start3A_21 = arith.constant 0 : i32
      %dma_start3A_22 = arith.constant 0 : i32
      %dma_start3A_23 = tpu.memref_slice %arg4[%arg0, %arg1, %dma_start3A_21, %dma_start3A_22] : memref<2x16x125x80xi32, #tpu.memory_space<hbm>> -> memref<1x1x125x80xi32, #tpu.memory_space<hbm>>
      %dma_start3A_24 = tpu.memref_squeeze %dma_start3A_23 : memref<1x1x125x80xi32, #tpu.memory_space<hbm>> -> memref<125x80xi32, #tpu.memory_space<hbm>>
      %dma_start3A_25 = arith.constant 0 : i32
      %dma_start3A_26 = arith.constant 0 : i32
      %dma_start3A_27 = tpu.memref_slice %arg4[%arg0, %arg1, %dma_start3A_25, %dma_start3A_26] : memref<2x16x125x80xi32, #tpu.memory_space<hbm>> -> memref<1x1x125x80xi32, #tpu.memory_space<hbm>>
      %dma_start3A_28 = tpu.memref_squeeze %dma_start3A_27 : memref<1x1x125x80xi32, #tpu.memory_space<hbm>> -> memref<125x80xi32, #tpu.memory_space<hbm>>
      tpu.enqueue_dma source(%dma_start3A_28 : memref<125x80xi32, #tpu.memory_space<hbm>>) target(%arg8 : memref<125x80xi32, #tpu.memory_space<vmem>>) target_semaphore(%run_scoped3A : memref<!tpu.dma_semaphore, #tpu.memory_space<semaphore_mem>>)
      %dma_wait3A_29 = arith.constant 0 : i32
      %dma_wait3A_30 = arith.constant 0 : i32
      %dma_wait3A_31 = tpu.memref_slice %arg4[%arg0, %arg1, %dma_wait3A_29, %dma_wait3A_30] : memref<2x16x125x80xi32, #tpu.memory_space<hbm>> -> memref<1x1x125x80xi32, #tpu.memory_space<hbm>>
      %dma_wait3A_32 = tpu.memref_squeeze %dma_wait3A_31 : memref<1x1x125x80xi32, #tpu.memory_space<hbm>> -> memref<125x80xi32, #tpu.memory_space<hbm>>
      %dma_wait3A_33 = arith.constant 0 : i32
      %dma_wait3A_34 = arith.constant 0 : i32
      %dma_wait3A_35 = tpu.memref_slice %arg4[%arg0, %arg1, %dma_wait3A_33, %dma_wait3A_34] : memref<2x16x125x80xi32, #tpu.memory_space<hbm>> -> memref<1x1x125x80xi32, #tpu.memory_space<hbm>>
      %dma_wait3A_36 = tpu.memref_squeeze %dma_wait3A_35 : memref<1x1x125x80xi32, #tpu.memory_space<hbm>> -> memref<125x80xi32, #tpu.memory_space<hbm>>
      tpu.wait_dma2 semaphore(%run_scoped3A : memref<!tpu.dma_semaphore, #tpu.memory_space<semaphore_mem>>) src(%dma_wait3A_36 : memref<125x80xi32, #tpu.memory_space<hbm>>) dst(%arg8 : memref<125x80xi32, #tpu.memory_space<vmem>>)
      tpu.yield
    }) : () -> ()
    %dma_wait3A = arith.constant 0 : i32
    %dma_wait3A_2 = tpu.memref_slice %arg11[%mul3A_0, %dma_wait3A] : memref<10112x128xf32, #tpu.memory_space<vmem_shared>> -> memref<632x128xf32, #tpu.memory_space<vmem_shared>>
    tpu.wait_dma2 semaphore(%arg13 : memref<!tpu.dma_semaphore, #tpu.memory_space<semaphore_mem>>) src(%arg5 : memref<632x128xf32, #tpu.memory_space<hbm>>) dst(%dma_wait3A_2 : memref<632x128xf32, #tpu.memory_space<vmem_shared>>)
    %dma_start3A_3 = arith.constant 0 : i32
    %dma_start3A_4 = tpu.memref_slice %arg7[%dma_start3A_3] : memref<10000xi32, #tpu.memory_space<vmem>> -> memref<80xi32, #tpu.memory_space<vmem>>
    %dma_start3A_5 = arith.constant 0 : i32
    %dma_start3A_6 = arith.constant 0 : i32
    %dma_start3A_7 = tpu.memref_slice %arg2[%dma_start3A_5, %dma_start3A_6] : memref<10000x128xf32, #tpu.memory_space<hbm>> -> memref<10000x128xf32, #tpu.memory_space<hbm>>
    tpu.enqueue_indirect_dma source(%dma_start3A_7 : memref<10000x128xf32, #tpu.memory_space<hbm>>) target(%arg9 : memref<80x128xf32, #tpu.memory_space<vmem>>) offsets(%dma_start3A_4 : memref<80xi32, #tpu.memory_space<vmem>>) semaphore(%arg12 : memref<!tpu.dma_semaphore, #tpu.memory_space<semaphore_mem>>)
    %barrier3A = arith.constant 0 : index
    tpu.barrier barrier_id(%barrier3A)
    %scan3A = arith.constant 0 : i32
    %scan3A_8 = arith.constant 0 : i32
    %scan3A_9 = arith.constant 63 : i32
    %scan3A_10 = arith.addi %scan3A_8, %scan3A_9 : i32
    %scan3A_11 = arith.constant 1 : i32
    scf.for %scan3A_21 = %scan3A_8 to %scan3A_10 step %scan3A_11  : i32 {
      %mul3A_22 = arith.constant 2 : i32
      %mul3A_23 = arith.muli %mul3A_22, %scan3A_21 : i32
      %add3A = arith.constant 1 : i32
      %add3A_24 = arith.addi %mul3A_23, %add3A : i32
      %mul3A_25 = arith.constant 80 : i32
      %mul3A_26 = arith.muli %mul3A_23, %mul3A_25 : i32
      %dma_wait3A_27 = tpu.memref_slice %arg7[%mul3A_26] : memref<10000xi32, #tpu.memory_space<vmem>> -> memref<80xi32, #tpu.memory_space<vmem>>
      %dma_wait3A_28 = arith.constant 0 : i32
      %dma_wait3A_29 = arith.constant 0 : i32
      %dma_wait3A_30 = tpu.memref_slice %arg2[%dma_wait3A_28, %dma_wait3A_29] : memref<10000x128xf32, #tpu.memory_space<hbm>> -> memref<10000x128xf32, #tpu.memory_space<hbm>>
      tpu.wait_indirect_dma semaphore(%arg12 : memref<!tpu.dma_semaphore, #tpu.memory_space<semaphore_mem>>) src(%dma_wait3A_30 : memref<10000x128xf32, #tpu.memory_space<hbm>>) dst(%arg9 : memref<80x128xf32, #tpu.memory_space<vmem>>)
      %dma_start3A_31 = arith.constant 0 : i32
      %dma_start3A_32 = tpu.memref_slice %arg8[%mul3A_23, %dma_start3A_31] : memref<125x80xi32, #tpu.memory_space<vmem>> -> memref<1x80xi32, #tpu.memory_space<vmem>>
      %dma_start3A_33 = tpu.memref_squeeze %dma_start3A_32 : memref<1x80xi32, #tpu.memory_space<vmem>> -> memref<80xi32, #tpu.memory_space<vmem>>
      %dma_start3A_34 = arith.constant 0 : i32
      %dma_start3A_35 = arith.constant 0 : i32
      %dma_start3A_36 = tpu.memref_slice %arg11[%dma_start3A_34, %dma_start3A_35] : memref<10112x128xf32, #tpu.memory_space<vmem_shared>> -> memref<10112x128xf32, #tpu.memory_space<vmem_shared>>
      tpu.enqueue_indirect_dma source(%arg9 : memref<80x128xf32, #tpu.memory_space<vmem>>) target(%dma_start3A_36 : memref<10112x128xf32, #tpu.memory_space<vmem_shared>>) offsets(%dma_start3A_33 : memref<80xi32, #tpu.memory_space<vmem>>) semaphore(%arg14 : memref<!tpu.dma_semaphore, #tpu.memory_space<semaphore_mem>>) {add = true}
      %gt3A = arith.constant 0 : i32
      %gt3A_37 = arith.cmpi sgt, %scan3A_21, %gt3A : i32
      %convert_element_type3A = arith.extui %gt3A_37 : i1 to i32
      %cond3A = arith.constant 0 : i32
      %cond3A_38 = arith.cmpi ne, %convert_element_type3A, %cond3A : i32
      scf.if %cond3A_38 {
        %sub3A = arith.constant 1 : i32
        %sub3A_48 = arith.subi %mul3A_23, %sub3A : i32
        %dma_wait3A_49 = arith.constant 0 : i32
        %dma_wait3A_50 = tpu.memref_slice %arg8[%sub3A_48, %dma_wait3A_49] : memref<125x80xi32, #tpu.memory_space<vmem>> -> memref<1x80xi32, #tpu.memory_space<vmem>>
        %dma_wait3A_51 = tpu.memref_squeeze %dma_wait3A_50 : memref<1x80xi32, #tpu.memory_space<vmem>> -> memref<80xi32, #tpu.memory_space<vmem>>
        %dma_wait3A_52 = arith.constant 0 : i32
        %dma_wait3A_53 = arith.constant 0 : i32
        %dma_wait3A_54 = tpu.memref_slice %arg11[%dma_wait3A_52, %dma_wait3A_53] : memref<10112x128xf32, #tpu.memory_space<vmem_shared>> -> memref<10112x128xf32, #tpu.memory_space<vmem_shared>>
        tpu.wait_indirect_dma semaphore(%arg15 : memref<!tpu.dma_semaphore, #tpu.memory_space<semaphore_mem>>) src(%arg10 : memref<80x128xf32, #tpu.memory_space<vmem>>) dst(%dma_wait3A_54 : memref<10112x128xf32, #tpu.memory_space<vmem_shared>>)
      } else {
      }
      %lt3A = arith.constant 125 : i32
      %lt3A_39 = arith.cmpi slt, %add3A_24, %lt3A : i32
      %convert_element_type3A_40 = arith.extui %lt3A_39 : i1 to i32
      %cond3A_41 = arith.constant 0 : i32
      %cond3A_42 = arith.cmpi ne, %convert_element_type3A_40, %cond3A_41 : i32
      scf.if %cond3A_42 {
        %mul3A_48 = arith.constant 80 : i32
        %mul3A_49 = arith.muli %add3A_24, %mul3A_48 : i32
        %dma_start3A_50 = tpu.memref_slice %arg7[%mul3A_49] : memref<10000xi32, #tpu.memory_space<vmem>> -> memref<80xi32, #tpu.memory_space<vmem>>
        %dma_start3A_51 = arith.constant 0 : i32
        %dma_start3A_52 = arith.constant 0 : i32
        %dma_start3A_53 = tpu.memref_slice %arg2[%dma_start3A_51, %dma_start3A_52] : memref<10000x128xf32, #tpu.memory_space<hbm>> -> memref<10000x128xf32, #tpu.memory_space<hbm>>
        tpu.enqueue_indirect_dma source(%dma_start3A_53 : memref<10000x128xf32, #tpu.memory_space<hbm>>) target(%arg10 : memref<80x128xf32, #tpu.memory_space<vmem>>) offsets(%dma_start3A_50 : memref<80xi32, #tpu.memory_space<vmem>>) semaphore(%arg13 : memref<!tpu.dma_semaphore, #tpu.memory_space<semaphore_mem>>)
      } else {
      }
      %lt3A_43 = arith.constant 125 : i32
      %lt3A_44 = arith.cmpi slt, %add3A_24, %lt3A_43 : i32
      %convert_element_type3A_45 = arith.extui %lt3A_44 : i1 to i32
      %cond3A_46 = arith.constant 0 : i32
      %cond3A_47 = arith.cmpi ne, %convert_element_type3A_45, %cond3A_46 : i32
      scf.if %cond3A_47 {
        %mul3A_48 = arith.constant 80 : i32
        %mul3A_49 = arith.muli %add3A_24, %mul3A_48 : i32
        %dma_wait3A_50 = tpu.memref_slice %arg7[%mul3A_49] : memref<10000xi32, #tpu.memory_space<vmem>> -> memref<80xi32, #tpu.memory_space<vmem>>
        %dma_wait3A_51 = arith.constant 0 : i32
        %dma_wait3A_52 = arith.constant 0 : i32
        %dma_wait3A_53 = tpu.memref_slice %arg2[%dma_wait3A_51, %dma_wait3A_52] : memref<10000x128xf32, #tpu.memory_space<hbm>> -> memref<10000x128xf32, #tpu.memory_space<hbm>>
        tpu.wait_indirect_dma semaphore(%arg13 : memref<!tpu.dma_semaphore, #tpu.memory_space<semaphore_mem>>) src(%dma_wait3A_53 : memref<10000x128xf32, #tpu.memory_space<hbm>>) dst(%arg10 : memref<80x128xf32, #tpu.memory_space<vmem>>)
        %dma_start3A_54 = arith.constant 0 : i32
        %dma_start3A_55 = tpu.memref_slice %arg8[%add3A_24, %dma_start3A_54] : memref<125x80xi32, #tpu.memory_space<vmem>> -> memref<1x80xi32, #tpu.memory_space<vmem>>
        %dma_start3A_56 = tpu.memref_squeeze %dma_start3A_55 : memref<1x80xi32, #tpu.memory_space<vmem>> -> memref<80xi32, #tpu.memory_space<vmem>>
        %dma_start3A_57 = arith.constant 0 : i32
        %dma_start3A_58 = arith.constant 0 : i32
        %dma_start3A_59 = tpu.memref_slice %arg11[%dma_start3A_57, %dma_start3A_58] : memref<10112x128xf32, #tpu.memory_space<vmem_shared>> -> memref<10112x128xf32, #tpu.memory_space<vmem_shared>>
        tpu.enqueue_indirect_dma source(%arg10 : memref<80x128xf32, #tpu.memory_space<vmem>>) target(%dma_start3A_59 : memref<10112x128xf32, #tpu.memory_space<vmem_shared>>) offsets(%dma_start3A_56 : memref<80xi32, #tpu.memory_space<vmem>>) semaphore(%arg15 : memref<!tpu.dma_semaphore, #tpu.memory_space<semaphore_mem>>) {add = true}
        %dma_wait3A_60 = arith.constant 0 : i32
        %dma_wait3A_61 = tpu.memref_slice %arg8[%mul3A_23, %dma_wait3A_60] : memref<125x80xi32, #tpu.memory_space<vmem>> -> memref<1x80xi32, #tpu.memory_space<vmem>>
        %dma_wait3A_62 = tpu.memref_squeeze %dma_wait3A_61 : memref<1x80xi32, #tpu.memory_space<vmem>> -> memref<80xi32, #tpu.memory_space<vmem>>
        %dma_wait3A_63 = arith.constant 0 : i32
        %dma_wait3A_64 = arith.constant 0 : i32
        %dma_wait3A_65 = tpu.memref_slice %arg11[%dma_wait3A_63, %dma_wait3A_64] : memref<10112x128xf32, #tpu.memory_space<vmem_shared>> -> memref<10112x128xf32, #tpu.memory_space<vmem_shared>>
        tpu.wait_indirect_dma semaphore(%arg14 : memref<!tpu.dma_semaphore, #tpu.memory_space<semaphore_mem>>) src(%arg9 : memref<80x128xf32, #tpu.memory_space<vmem>>) dst(%dma_wait3A_65 : memref<10112x128xf32, #tpu.memory_space<vmem_shared>>)
        %add3A_66 = arith.constant 1 : i32
        %add3A_67 = arith.addi %add3A_24, %add3A_66 : i32
        %lt3A_68 = arith.constant 125 : i32
        %lt3A_69 = arith.cmpi slt, %add3A_67, %lt3A_68 : i32
        %convert_element_type3A_70 = arith.extui %lt3A_69 : i1 to i32
        %cond3A_71 = arith.constant 0 : i32
        %cond3A_72 = arith.cmpi ne, %convert_element_type3A_70, %cond3A_71 : i32
        scf.if %cond3A_72 {
          %add3A_73 = arith.constant 1 : i32
          %add3A_74 = arith.addi %add3A_24, %add3A_73 : i32
          %mul3A_75 = arith.constant 80 : i32
          %mul3A_76 = arith.muli %add3A_74, %mul3A_75 : i32
          %dma_start3A_77 = tpu.memref_slice %arg7[%mul3A_76] : memref<10000xi32, #tpu.memory_space<vmem>> -> memref<80xi32, #tpu.memory_space<vmem>>
          %dma_start3A_78 = arith.constant 0 : i32
          %dma_start3A_79 = arith.constant 0 : i32
          %dma_start3A_80 = tpu.memref_slice %arg2[%dma_start3A_78, %dma_start3A_79] : memref<10000x128xf32, #tpu.memory_space<hbm>> -> memref<10000x128xf32, #tpu.memory_space<hbm>>
          tpu.enqueue_indirect_dma source(%dma_start3A_80 : memref<10000x128xf32, #tpu.memory_space<hbm>>) target(%arg9 : memref<80x128xf32, #tpu.memory_space<vmem>>) offsets(%dma_start3A_77 : memref<80xi32, #tpu.memory_space<vmem>>) semaphore(%arg12 : memref<!tpu.dma_semaphore, #tpu.memory_space<semaphore_mem>>)
        } else {
        }
      } else {
      }
    }
    %scan3A_12 = arith.constant 63 : i32
    %dma_wait3A_13 = arith.constant 124 : i32
    %dma_wait3A_14 = arith.constant 0 : i32
    %dma_wait3A_15 = tpu.memref_slice %arg8[%dma_wait3A_13, %dma_wait3A_14] : memref<125x80xi32, #tpu.memory_space<vmem>> -> memref<1x80xi32, #tpu.memory_space<vmem>>
    %dma_wait3A_16 = tpu.memref_squeeze %dma_wait3A_15 : memref<1x80xi32, #tpu.memory_space<vmem>> -> memref<80xi32, #tpu.memory_space<vmem>>
    %dma_wait3A_17 = arith.constant 0 : i32
    %dma_wait3A_18 = arith.constant 0 : i32
    %dma_wait3A_19 = tpu.memref_slice %arg11[%dma_wait3A_17, %dma_wait3A_18] : memref<10112x128xf32, #tpu.memory_space<vmem_shared>> -> memref<10112x128xf32, #tpu.memory_space<vmem_shared>>
    tpu.wait_indirect_dma semaphore(%arg14 : memref<!tpu.dma_semaphore, #tpu.memory_space<semaphore_mem>>) src(%arg9 : memref<80x128xf32, #tpu.memory_space<vmem>>) dst(%dma_wait3A_19 : memref<10112x128xf32, #tpu.memory_space<vmem_shared>>)
    %barrier3A_20 = arith.constant 0 : index
    tpu.barrier barrier_id(%barrier3A_20)
    "tpu.region"() ({
      %run_scoped3A = tpu.sem_alloc : memref<!tpu.dma_semaphore, #tpu.memory_space<semaphore_mem>>
      %dma_start3A_21 = arith.constant 0 : i32
      %dma_start3A_22 = tpu.memref_slice %arg6[%arg0, %mul3A_0, %dma_start3A_21] : memref<2x10112x128xf32, #tpu.memory_space<hbm>> -> memref<1x632x128xf32, #tpu.memory_space<hbm>>
      %dma_start3A_23 = tpu.memref_squeeze %dma_start3A_22 : memref<1x632x128xf32, #tpu.memory_space<hbm>> -> memref<632x128xf32, #tpu.memory_space<hbm>>
      %dma_start3A_24 = arith.constant 0 : i32
      %dma_start3A_25 = tpu.memref_slice %arg11[%mul3A_0, %dma_start3A_24] : memref<10112x128xf32, #tpu.memory_space<vmem_shared>> -> memref<632x128xf32, #tpu.memory_space<vmem_shared>>
      tpu.enqueue_dma source(%dma_start3A_25 : memref<632x128xf32, #tpu.memory_space<vmem_shared>>) target(%dma_start3A_23 : memref<632x128xf32, #tpu.memory_space<hbm>>) target_semaphore(%run_scoped3A : memref<!tpu.dma_semaphore, #tpu.memory_space<semaphore_mem>>)
      %dma_wait3A_26 = arith.constant 0 : i32
      %dma_wait3A_27 = tpu.memref_slice %arg6[%arg0, %mul3A_0, %dma_wait3A_26] : memref<2x10112x128xf32, #tpu.memory_space<hbm>> -> memref<1x632x128xf32, #tpu.memory_space<hbm>>
      %dma_wait3A_28 = tpu.memref_squeeze %dma_wait3A_27 : memref<1x632x128xf32, #tpu.memory_space<hbm>> -> memref<632x128xf32, #tpu.memory_space<hbm>>
      %dma_wait3A_29 = arith.constant 0 : i32
      %dma_wait3A_30 = tpu.memref_slice %arg11[%mul3A_0, %dma_wait3A_29] : memref<10112x128xf32, #tpu.memory_space<vmem_shared>> -> memref<632x128xf32, #tpu.memory_space<vmem_shared>>
      tpu.wait_dma2 semaphore(%run_scoped3A : memref<!tpu.dma_semaphore, #tpu.memory_space<semaphore_mem>>) src(%dma_wait3A_30 : memref<632x128xf32, #tpu.memory_space<vmem_shared>>) dst(%dma_wait3A_28 : memref<632x128xf32, #tpu.memory_space<hbm>>)
      tpu.yield
    }) : () -> ()
    return
  }
}

module attributes {stable_mosaic.version = 14 : i64} {
  func.func @_mm_body(%arg0: i32, %arg1: memref<5000x128xf32, #tpu.memory_space<vmem>>, %arg2: memref<128x128xf32, #tpu.memory_space<vmem>>, %arg3: memref<2x5000x8xf32, #tpu.memory_space<vmem>>, %arg4: memref<5000x128xf32, #tpu.memory_space<vmem>>) attributes {dimension_semantics = [#tpu.dimension_semantics<arbitrary>], iteration_bounds = array<i64: 2>, scalar_prefetch = 0 : i64, scratch_operands = 0 : i64, tpu.core_type = #tpu.core_type<tc>, window_params = [{transform_indices = @transform_0, window_bounds = array<i64: 5000, 128>}, {pipeline_mode = #tpu.pipeline_mode<synchronous>, transform_indices = @transform_1, window_bounds = array<i64: 128, 128>}, {transform_indices = @transform_2, window_bounds = array<i64: 2, 5000, 8>}, {transform_indices = @transform_3, window_bounds = array<i64: 5000, 128>}]} {
    %get3A = arith.constant 0 : index
    %get3A_0 = arith.constant 0 : index
    %get3A_1 = arith.constant 0 : index
    %get3A_2 = vector.load %arg3[%get3A, %get3A_0, %get3A_1] : memref<2x5000x8xf32, #tpu.memory_space<vmem>>, vector<2x5000x8xf32>
    %slice3A = vector.extract_strided_slice %get3A_2 {offsets = [0, 0, 0], sizes = [1, 5000, 8], strides = [1, 1, 1]} : vector<2x5000x8xf32> to vector<1x5000x8xf32>
    %squeeze3A = vector.shape_cast %slice3A : vector<1x5000x8xf32> to vector<5000x8xf32>
    %reduce_sum3A = arith.constant dense<0.000000e+00> : vector<5000xf32>
    %reduce_sum3A_3 = vector.multi_reduction <add>, %squeeze3A, %reduce_sum3A [1] : vector<5000x8xf32> to vector<5000xf32>
    %max3A = arith.constant 1.000000e+00 : f32
    %max3A_4 = vector.broadcast %max3A : f32 to vector<5000xf32>
    %max3A_5 = arith.maximumf %reduce_sum3A_3, %max3A_4 : vector<5000xf32>
    %rsqrt3A = math.rsqrt %max3A_5 : vector<5000xf32>
    %broadcast_in_dim3A = vector.shape_cast %rsqrt3A : vector<5000xf32> to vector<5000x1xf32>
    %get3A_6 = arith.constant 0 : index
    %get3A_7 = arith.constant 0 : index
    %get3A_8 = vector.load %arg1[%get3A_6, %get3A_7] : memref<5000x128xf32, #tpu.memory_space<vmem>>, vector<5000x128xf32>
    %get3A_9 = arith.constant 0 : index
    %get3A_10 = arith.constant 0 : index
    %get3A_11 = vector.load %arg2[%get3A_9, %get3A_10] : memref<128x128xf32, #tpu.memory_space<vmem>>, vector<128x128xf32>
    %dot_general3A = arith.constant dense<0.000000e+00> : vector<5000x128xf32>
    %dot_general3A_12 = tpu.matmul %get3A_8, %get3A_11, %dot_general3A {dimension_numbers = #tpu.dot_dimension_numbers<[1], [0], [0], [1], [0, 0, 1, 1], [], []>, transpose_lhs_hint = false} : vector<5000x128xf32>, vector<128x128xf32>, vector<5000x128xf32> -> vector<5000x128xf32>
    %mul3A = vector.broadcast %broadcast_in_dim3A : vector<5000x1xf32> to vector<5000x128xf32>
    %mul3A_13 = arith.mulf %mul3A, %dot_general3A_12 : vector<5000x128xf32>
    %swap3A = arith.constant 0 : index
    %swap3A_14 = arith.constant 0 : index
    %swap3A_15 = vector.load %arg4[%swap3A, %swap3A_14] : memref<5000x128xf32, #tpu.memory_space<vmem>>, vector<5000x128xf32>
    tpu.vector_store %arg4[%swap3A, %swap3A_14], %mul3A_13 {strides = array<i32>} : memref<5000x128xf32, #tpu.memory_space<vmem>>, vector<5000x128xf32>,
    return
  }
  func.func @transform_0(%arg0: i32) -> (i32, i32) {
    %c0_i32 = arith.constant 0 : i32
    %c0_i32_0 = arith.constant 0 : i32
    return %arg0, %c0_i32 : i32, i32
  }
  func.func @transform_1(%arg0: i32) -> (i32, i32) {
    %c0_i32 = arith.constant 0 : i32
    %c0_i32_0 = arith.constant 0 : i32
    %c0_i32_1 = arith.constant 0 : i32
    return %c0_i32, %c0_i32_0 : i32, i32
  }
  func.func @transform_2(%arg0: i32) -> (i32, i32, i32) {
    %c0_i32 = arith.constant 0 : i32
    %c0_i32_0 = arith.constant 0 : i32
    %c0_i32_1 = arith.constant 0 : i32
    return %c0_i32, %arg0, %c0_i32_0 : i32, i32, i32
  }
  func.func @transform_3(%arg0: i32) -> (i32, i32) {
    %c0_i32 = arith.constant 0 : i32
    %c0_i32_0 = arith.constant 0 : i32
    return %arg0, %c0_i32 : i32, i32
  }
}

module attributes {stable_mosaic.version = 14 : i64} {
  func.func @_mid_body(%arg0: i32, %arg1: memref<2x5000x128xf32, #tpu.memory_space<vmem>>, %arg2: memref<2x5000x8xf32, #tpu.memory_space<vmem>>, %arg3: memref<128xf32, #tpu.memory_space<vmem>>, %arg4: memref<128x128xf32, #tpu.memory_space<vmem>>, %arg5: memref<5000x128xf32, #tpu.memory_space<vmem>>) attributes {dimension_semantics = [#tpu.dimension_semantics<arbitrary>], iteration_bounds = array<i64: 2>, scalar_prefetch = 0 : i64, scratch_operands = 0 : i64, tpu.core_type = #tpu.core_type<tc>, window_params = [{transform_indices = @transform_0, window_bounds = array<i64: 2, 5000, 128>}, {transform_indices = @transform_1, window_bounds = array<i64: 2, 5000, 8>}, {pipeline_mode = #tpu.pipeline_mode<synchronous>, transform_indices = @transform_2, window_bounds = array<i64: 128>}, {pipeline_mode = #tpu.pipeline_mode<synchronous>, transform_indices = @transform_3, window_bounds = array<i64: 128, 128>}, {transform_indices = @transform_4, window_bounds = array<i64: 5000, 128>}]} {
    %get3A = arith.constant 0 : index
    %get3A_0 = arith.constant 0 : index
    %get3A_1 = arith.constant 0 : index
    %get3A_2 = vector.load %arg2[%get3A, %get3A_0, %get3A_1] : memref<2x5000x8xf32, #tpu.memory_space<vmem>>, vector<2x5000x8xf32>
    %slice3A = vector.extract_strided_slice %get3A_2 {offsets = [0, 0, 0], sizes = [1, 5000, 8], strides = [1, 1, 1]} : vector<2x5000x8xf32> to vector<1x5000x8xf32>
    %squeeze3A = vector.shape_cast %slice3A : vector<1x5000x8xf32> to vector<5000x8xf32>
    %reduce_sum3A = arith.constant dense<0.000000e+00> : vector<5000xf32>
    %reduce_sum3A_3 = vector.multi_reduction <add>, %squeeze3A, %reduce_sum3A [1] : vector<5000x8xf32> to vector<5000xf32>
    %slice3A_4 = vector.extract_strided_slice %get3A_2 {offsets = [1, 0, 0], sizes = [1, 5000, 8], strides = [1, 1, 1]} : vector<2x5000x8xf32> to vector<1x5000x8xf32>
    %squeeze3A_5 = vector.shape_cast %slice3A_4 : vector<1x5000x8xf32> to vector<5000x8xf32>
    %reduce_sum3A_6 = arith.constant dense<0.000000e+00> : vector<5000xf32>
    %reduce_sum3A_7 = vector.multi_reduction <add>, %squeeze3A_5, %reduce_sum3A_6 [1] : vector<5000x8xf32> to vector<5000xf32>
    %max3A = arith.constant 1.000000e+00 : f32
    %max3A_8 = vector.broadcast %max3A : f32 to vector<5000xf32>
    %max3A_9 = arith.maximumf %reduce_sum3A_3, %max3A_8 : vector<5000xf32>
    %rsqrt3A = math.rsqrt %max3A_9 : vector<5000xf32>
    %max3A_10 = arith.constant 1.000000e+00 : f32
    %max3A_11 = vector.broadcast %max3A_10 : f32 to vector<5000xf32>
    %max3A_12 = arith.maximumf %reduce_sum3A_7, %max3A_11 : vector<5000xf32>
    %rsqrt3A_13 = math.rsqrt %max3A_12 : vector<5000xf32>
    %get3A_14 = arith.constant 0 : index
    %get3A_15 = arith.constant 0 : index
    %get3A_16 = arith.constant 0 : index
    %get3A_17 = vector.load %arg1[%get3A_14, %get3A_15, %get3A_16] : memref<2x5000x128xf32, #tpu.memory_space<vmem>>, vector<1x5000x128xf32>
    %get3A_18 = vector.shape_cast %get3A_17 : vector<1x5000x128xf32> to vector<5000x128xf32>
    %get3A_19 = arith.constant 1 : index
    %get3A_20 = arith.constant 0 : index
    %get3A_21 = arith.constant 0 : index
    %get3A_22 = vector.load %arg1[%get3A_19, %get3A_20, %get3A_21] : memref<2x5000x128xf32, #tpu.memory_space<vmem>>, vector<1x5000x128xf32>
    %get3A_23 = vector.shape_cast %get3A_22 : vector<1x5000x128xf32> to vector<5000x128xf32>
    %add3A = arith.addf %get3A_18, %get3A_23 : vector<5000x128xf32>
    %broadcast_in_dim3A = vector.shape_cast %rsqrt3A_13 : vector<5000xf32> to vector<5000x1xf32>
    %mul3A = vector.broadcast %broadcast_in_dim3A : vector<5000x1xf32> to vector<5000x128xf32>
    %mul3A_24 = arith.mulf %mul3A, %add3A : vector<5000x128xf32>
    %get3A_25 = arith.constant 0 : index
    %get3A_26 = vector.load %arg3[%get3A_25] : memref<128xf32, #tpu.memory_space<vmem>>, vector<128xf32>
    %broadcast_in_dim3A_27 = vector.shape_cast %get3A_26 : vector<128xf32> to vector<1x128xf32>
    %add3A_28 = vector.broadcast %broadcast_in_dim3A_27 : vector<1x128xf32> to vector<5000x128xf32>
    %add3A_29 = arith.addf %mul3A_24, %add3A_28 : vector<5000x128xf32>
    %max3A_30 = arith.constant 0.000000e+00 : f32
    %max3A_31 = vector.broadcast %max3A_30 : f32 to vector<5000x128xf32>
    %max3A_32 = arith.maximumf %add3A_29, %max3A_31 : vector<5000x128xf32>
    %broadcast_in_dim3A_33 = vector.shape_cast %rsqrt3A : vector<5000xf32> to vector<5000x1xf32>
    %mul3A_34 = vector.broadcast %broadcast_in_dim3A_33 : vector<5000x1xf32> to vector<5000x128xf32>
    %mul3A_35 = arith.mulf %mul3A_34, %max3A_32 : vector<5000x128xf32>
    %get3A_36 = arith.constant 0 : index
    %get3A_37 = arith.constant 0 : index
    %get3A_38 = vector.load %arg4[%get3A_36, %get3A_37] : memref<128x128xf32, #tpu.memory_space<vmem>>, vector<128x128xf32>
    %dot_general3A = arith.constant dense<0.000000e+00> : vector<5000x128xf32>
    %dot_general3A_39 = tpu.matmul %mul3A_35, %get3A_38, %dot_general3A {dimension_numbers = #tpu.dot_dimension_numbers<[1], [0], [0], [1], [0, 0, 1, 1], [], []>, transpose_lhs_hint = false} : vector<5000x128xf32>, vector<128x128xf32>, vector<5000x128xf32> -> vector<5000x128xf32>
    %swap3A = arith.constant 0 : index
    %swap3A_40 = arith.constant 0 : index
    %swap3A_41 = vector.load %arg5[%swap3A, %swap3A_40] : memref<5000x128xf32, #tpu.memory_space<vmem>>, vector<5000x128xf32>
    tpu.vector_store %arg5[%swap3A, %swap3A_40], %dot_general3A_39 {strides = array<i32>} : memref<5000x128xf32, #tpu.memory_space<vmem>>, vector<5000x128xf32>,
    return
  }
  func.func @transform_0(%arg0: i32) -> (i32, i32, i32) {
    %c0_i32 = arith.constant 0 : i32
    %c0_i32_0 = arith.constant 0 : i32
    %c0_i32_1 = arith.constant 0 : i32
    return %c0_i32, %arg0, %c0_i32_0 : i32, i32, i32
  }
  func.func @transform_1(%arg0: i32) -> (i32, i32, i32) {
    %c0_i32 = arith.constant 0 : i32
    %c0_i32_0 = arith.constant 0 : i32
    %c0_i32_1 = arith.constant 0 : i32
    return %c0_i32, %arg0, %c0_i32_0 : i32, i32, i32
  }
  func.func @transform_2(%arg0: i32) -> i32 {
    %c0_i32 = arith.constant 0 : i32
    %c0_i32_0 = arith.constant 0 : i32
    return %c0_i32 : i32
  }
  func.func @transform_3(%arg0: i32) -> (i32, i32) {
    %c0_i32 = arith.constant 0 : i32
    %c0_i32_0 = arith.constant 0 : i32
    %c0_i32_1 = arith.constant 0 : i32
    return %c0_i32, %c0_i32_0 : i32, i32
  }
  func.func @transform_4(%arg0: i32) -> (i32, i32) {
    %c0_i32 = arith.constant 0 : i32
    %c0_i32_0 = arith.constant 0 : i32
    return %arg0, %c0_i32 : i32, i32
  }
}

module attributes {stable_mosaic.version = 14 : i64} {
  func.func @_final_body(%arg0: i32, %arg1: memref<2x5000x128xf32, #tpu.memory_space<vmem>>, %arg2: memref<2x5000x8xf32, #tpu.memory_space<vmem>>, %arg3: memref<128xf32, #tpu.memory_space<vmem>>, %arg4: memref<5000x128xf32, #tpu.memory_space<vmem>>) attributes {dimension_semantics = [#tpu.dimension_semantics<arbitrary>], iteration_bounds = array<i64: 2>, scalar_prefetch = 0 : i64, scratch_operands = 0 : i64, tpu.core_type = #tpu.core_type<tc>, window_params = [{transform_indices = @transform_0, window_bounds = array<i64: 2, 5000, 128>}, {transform_indices = @transform_1, window_bounds = array<i64: 2, 5000, 8>}, {pipeline_mode = #tpu.pipeline_mode<synchronous>, transform_indices = @transform_2, window_bounds = array<i64: 128>}, {transform_indices = @transform_3, window_bounds = array<i64: 5000, 128>}]} {
    %get3A = arith.constant 0 : index
    %get3A_0 = arith.constant 0 : index
    %get3A_1 = arith.constant 0 : index
    %get3A_2 = vector.load %arg2[%get3A, %get3A_0, %get3A_1] : memref<2x5000x8xf32, #tpu.memory_space<vmem>>, vector<2x5000x8xf32>
    %slice3A = vector.extract_strided_slice %get3A_2 {offsets = [1, 0, 0], sizes = [1, 5000, 8], strides = [1, 1, 1]} : vector<2x5000x8xf32> to vector<1x5000x8xf32>
    %squeeze3A = vector.shape_cast %slice3A : vector<1x5000x8xf32> to vector<5000x8xf32>
    %reduce_sum3A = arith.constant dense<0.000000e+00> : vector<5000xf32>
    %reduce_sum3A_3 = vector.multi_reduction <add>, %squeeze3A, %reduce_sum3A [1] : vector<5000x8xf32> to vector<5000xf32>
    %max3A = arith.constant 1.000000e+00 : f32
    %max3A_4 = vector.broadcast %max3A : f32 to vector<5000xf32>
    %max3A_5 = arith.maximumf %reduce_sum3A_3, %max3A_4 : vector<5000xf32>
    %rsqrt3A = math.rsqrt %max3A_5 : vector<5000xf32>
    %get3A_6 = arith.constant 0 : index
    %get3A_7 = arith.constant 0 : index
    %get3A_8 = arith.constant 0 : index
    %get3A_9 = vector.load %arg1[%get3A_6, %get3A_7, %get3A_8] : memref<2x5000x128xf32, #tpu.memory_space<vmem>>, vector<1x5000x128xf32>
    %get3A_10 = vector.shape_cast %get3A_9 : vector<1x5000x128xf32> to vector<5000x128xf32>
    %get3A_11 = arith.constant 1 : index
    %get3A_12 = arith.constant 0 : index
    %get3A_13 = arith.constant 0 : index
    %get3A_14 = vector.load %arg1[%get3A_11, %get3A_12, %get3A_13] : memref<2x5000x128xf32, #tpu.memory_space<vmem>>, vector<1x5000x128xf32>
    %get3A_15 = vector.shape_cast %get3A_14 : vector<1x5000x128xf32> to vector<5000x128xf32>
    %add3A = arith.addf %get3A_10, %get3A_15 : vector<5000x128xf32>
    %broadcast_in_dim3A = vector.shape_cast %rsqrt3A : vector<5000xf32> to vector<5000x1xf32>
    %mul3A = vector.broadcast %broadcast_in_dim3A : vector<5000x1xf32> to vector<5000x128xf32>
    %mul3A_16 = arith.mulf %mul3A, %add3A : vector<5000x128xf32>
    %get3A_17 = arith.constant 0 : index
    %get3A_18 = vector.load %arg3[%get3A_17] : memref<128xf32, #tpu.memory_space<vmem>>, vector<128xf32>
    %broadcast_in_dim3A_19 = vector.shape_cast %get3A_18 : vector<128xf32> to vector<1x128xf32>
    %add3A_20 = vector.broadcast %broadcast_in_dim3A_19 : vector<1x128xf32> to vector<5000x128xf32>
    %add3A_21 = arith.addf %mul3A_16, %add3A_20 : vector<5000x128xf32>
    %swap3A = arith.constant 0 : index
    %swap3A_22 = arith.constant 0 : index
    %swap3A_23 = vector.load %arg4[%swap3A, %swap3A_22] : memref<5000x128xf32, #tpu.memory_space<vmem>>, vector<5000x128xf32>
    tpu.vector_store %arg4[%swap3A, %swap3A_22], %add3A_21 {strides = array<i32>} : memref<5000x128xf32, #tpu.memory_space<vmem>>, vector<5000x128xf32>,
    return
  }
  func.func @transform_0(%arg0: i32) -> (i32, i32, i32) {
    %c0_i32 = arith.constant 0 : i32
    %c0_i32_0 = arith.constant 0 : i32
    %c0_i32_1 = arith.constant 0 : i32
    return %c0_i32, %arg0, %c0_i32_0 : i32, i32, i32
  }
  func.func @transform_1(%arg0: i32) -> (i32, i32, i32) {
    %c0_i32 = arith.constant 0 : i32
    %c0_i32_0 = arith.constant 0 : i32
    %c0_i32_1 = arith.constant 0 : i32
    return %c0_i32, %arg0, %c0_i32_0 : i32, i32, i32
  }
  func.func @transform_2(%arg0: i32) -> i32 {
    %c0_i32 = arith.constant 0 : i32
    %c0_i32_0 = arith.constant 0 : i32
    return %c0_i32 : i32
  }
  func.func @transform_3(%arg0: i32) -> (i32, i32) {
    %c0_i32 = arith.constant 0 : i32
    %c0_i32_0 = arith.constant 0 : i32
    return %arg0, %c0_i32 : i32, i32
  }
}

</mosaic_0001>

<sc_bundles>
// kernel: kernel.10.cloned.1.call-start
scs
__scs_entry_jumppad:
0x0: {  	(pc) =	sbr.rel $0x88, $3  }
0x1: {  	(tag) =	ssettag $0x0;
	lr =	simm.s32 $0x1  }
0x2: {  	[smem:$0x3F99] =	sst lr;
	_ =	strace $0xD0000000  }
0x3: {  	_ = 	snop  }
0x4: {  	_ = 	snop  }
0x5: {  	_ = 	snop  }
0x6: {  	_ = 	snop  }
0x7: {  	_ = 	snop  }
__scs_overlays_trampoline_lowered:
0x8: {  	[smem:$0x3FA8] =	sst s0  }
0x9: {  	[smem:$0x3FA9] =	sst s1  }
0xa: {  	[smem:$0x3FAA] =	sst s2  }
0xb: {  	[smem:$0x3FAB] =	sst s3  }
0xc: {  	[smem:$0x3FAC] =	sst s4  }
0xd: {  	[smem:$0x3FAD] =	sst s5  }
0xe: {  	[smem:$0x3FAE] =	sst s6  }
0xf: {  	[smem:$0x3FAF] =	sst s7  }
0x10: {  	[smem:$0x3FB0] =	sst s8  }
0x11: {  	[smem:$0x3FB1] =	sst s9;
	s0 =	simm.s32 @!p0 $0x0  }
0x12: {  	s1 =	sld [smem:$0x3F97];
	s0 =	simm.s32 @p0 $0x1  }
0x13: {  	[smem:$0x3FB2] =	sst s0;
	s0 =	simm.s32 @!p1 $0x0  }
0x14: {  	s2 =	sld [smem:$0x3F96];
	s0 =	simm.s32 @p1 $0x1  }
0x15: {  	[smem:$0x3FB3] =	sst s0;
	s0 =	simm.s32 @!p2 $0x0  }
0x16: {  	s3 =	sld [smem:$0x3FDB];
	s0 =	simm.s32 @p2 $0x1  }
0x17: {  	s4 =	simm.s32 $0x1BF5;
	[smem:$0x3FB5] =	sst s0  }
0x18: {  	s0 =	sld [smem:$0x3F98];
	_ =	swait.ge [sflag:s4], $0x0  }
0x19: {  	s7 =	sld [smem:$0x3F99]  }
0x1a: {  	s8 =	sadd.s32 $0xFFFFE003, lr  }
0x1b: {  	s9 =	sadd.s32 $0xFFFFFEF7, lr;
	s5 =	simm.s32 $0xFFFFFFFF;
	p2 =	slt.u32 s8, $0xFFFFF086  }
0x1c: {  	p1 =	slt.u32 s9, $0xF7A;
	s5 =	simm.s32 @!p2 $0x0  }
0x1d: {  	s5 =	simm.s32 @p1 $0x1;
	p0 =	seq.s32 s7, s2  }
0x1e: {  	s7 =	smul.u32 @!p0 $0xF7A, s2;
	p2 =	seq.s32 @!p0 s5, $0x0  }
0x1f: {  	s9 =	smul.u32 $0xF7A, s1;
	s8 =	simm.s32 @!p0 $0x1BF5;
	p2 =	por !p2, p0  }
0x20: {  	[sflag:s8] =	ssyncset.s32 @!p0 $0xFFFFF086;
	s6 =	sadd.s32 @!p0 s3, s7;
	s7 =	simm.s32 @!p0 $0x108  }
0x21: {  	s3 =	sadd.s32 s3, s9;
	s6 =	sadd.s32 @!p0 $0x88, s6;
	s7 =	simm.s32 @p2 $0x1082  }
0x22: {  	[simem:s7], [sflag:s8] =	dma.local @!p0 [hbm:s6], $0xF7A  }
0x23: {  	s9 =	sor.u32 $0xD0000000, s2;
	s6 =	simm.s32 $0x108;
	_ =	swait.ge @!p0 [sflag:s8], $0x0  }
0x24: {  	s3 =	sadd.s32 $0x88, s3;
	s6 =	simm.s32 @!p1 $0x1082;
	[sflag:s4] =	ssyncset.s32 $0xFFFFF086  }
0x25: {  	[simem:s6], [sflag:s4] =	dma.local [hbm:s3], $0xF7A  }
0x26: {  	[smem:$0x3F99] =	sst s1;
	(tag) =	ssettag s2;
	_ =	strace s9  }
0x27: {  	s1 =	sld [smem:$0x3FA9]  }
0x28: {  	s2 =	sld [smem:$0x3FAA]  }
0x29: {  	s4 =	sld [smem:$0x3FAC]  }
0x2a: {  	p0 =	seq.s32 s5, $0x0;
	s5 =	sld [smem:$0x3FAD]  }
0x2b: {  	s6 =	sld [smem:$0x3FAE]  }
0x2c: {  	s7 =	sld [smem:$0x3FAF]  }
0x2d: {  	s3 =	simm.s32 $0x108;
	s8 =	sld [smem:$0x3FB0]  }
0x2e: {  	s3 =	simm.s32 @!p0 $0x1082;
	s9 =	sld [smem:$0x3FB1]  }
0x2f: {  	lr =	sadd.s32 s0, s3;
	s0 =	sld [smem:$0x3FA8]  }
0x30: {  	s3 =	sld [smem:$0x3FAB]  }
0x31: {  	[smem:$0x3FB4] =	sst s10  }
0x32: {  	s10 =	sld [smem:$0x3FB2];
	_ =	sdelay $0x3  }
0x33: {  	p0 =	seq.s32 s10, $0x1;
	s10 =	sld [smem:$0x3FB4];
	_ =	sdelay $0x3  }
0x34: {  	[smem:$0x3FB4] =	sst s10  }
0x35: {  	s10 =	sld [smem:$0x3FB3];
	_ =	sdelay $0x3  }
0x36: {  	p1 =	seq.s32 s10, $0x1;
	s10 =	sld [smem:$0x3FB4];
	_ =	sdelay $0x3  }
0x37: {  	[smem:$0x3FB4] =	sst s10  }
0x38: {  	s10 =	sld [smem:$0x3FB5]  }
0x39: {  	_ = 	snop;
	(pc) =	sbr.ind lr, $3  }
0x3a: {  	_ = 	snop  }
0x3b: {  	_ = 	snop  }
0x3c: {  	p2 =	seq.s32 s10, $0x1;
	s10 =	sld [smem:$0x3FB4]  }
0x3d: {  	_ =	shalt  }
0x3e: {  	_ =	shalt  }
0x3f: {  	_ =	shalt  }
0x40: {  	_ =	shalt  }
0x41: {  	_ =	shalt  }
0x42: {  	_ =	shalt  }
0x43: {  	_ =	shalt  }
0x44: {  	_ =	shalt  }
0x45: {  	_ =	shalt  }
0x46: {  	_ =	shalt  }
0x47: {  	_ =	shalt  }
0x48: {  	_ =	shalt  }
0x49: {  	_ =	shalt  }
0x4a: {  	_ =	shalt  }
0x4b: {  	_ =	shalt  }
0x4c: {  	_ =	shalt  }
0x4d: {  	_ =	shalt  }
0x4e: {  	_ =	shalt  }
0x4f: {  	_ =	shalt  }
0x50: {  	_ =	shalt  }
0x51: {  	_ =	shalt  }
0x52: {  	_ =	shalt  }
0x53: {  	_ =	shalt  }
0x54: {  	_ =	shalt  }
0x55: {  	_ =	shalt  }
0x56: {  	_ =	shalt  }
0x57: {  	_ =	shalt  }
0x58: {  	_ =	shalt  }
0x59: {  	_ =	shalt  }
0x5a: {  	_ =	shalt  }
0x5b: {  	_ =	shalt  }
0x5c: {  	_ =	shalt  }
0x5d: {  	_ =	shalt  }
0x5e: {  	_ =	shalt  }
0x5f: {  	_ =	shalt  }
0x60: {  	_ =	shalt  }
0x61: {  	_ =	shalt  }
0x62: {  	_ =	shalt  }
0x63: {  	_ =	shalt  }
0x64: {  	_ =	shalt  }
0x65: {  	_ =	shalt  }
0x66: {  	_ =	shalt  }
0x67: {  	_ =	shalt  }
0x68: {  	_ =	shalt  }
0x69: {  	_ =	shalt  }
0x6a: {  	_ =	shalt  }
0x6b: {  	_ =	shalt  }
0x6c: {  	_ =	shalt  }
0x6d: {  	_ =	shalt  }
0x6e: {  	_ =	shalt  }
0x6f: {  	_ =	shalt  }
0x70: {  	_ =	shalt  }
0x71: {  	_ =	shalt  }
0x72: {  	_ =	shalt  }
0x73: {  	_ =	shalt  }
0x74: {  	_ =	shalt  }
0x75: {  	_ =	shalt  }
0x76: {  	_ =	shalt  }
0x77: {  	_ =	shalt  }
0x78: {  	_ =	shalt  }
0x79: {  	_ =	shalt  }
0x7a: {  	_ =	shalt  }
0x7b: {  	_ =	shalt  }
0x7c: {  	_ =	shalt  }
0x7d: {  	_ =	shalt  }
0x7e: {  	_ =	shalt  }
0x7f: {  	_ =	shalt  }
0x80: {  	_ =	shalt  }
0x81: {  	_ =	shalt  }
0x82: {  	_ =	shalt  }
0x83: {  	_ =	shalt  }
0x84: {  	_ =	shalt  }
0x85: {  	_ =	shalt  }
0x86: {  	_ =	shalt  }
0x87: {  	_ =	shalt  }
.Lfunc_end0:
.L_simem_size_0:
called_computation_lowered:
.L_overlay_start_0:
0x88: {  	s2 =	sld [smem:$0x3FD9]  }
0x89: {  	s3 =	sld [smem:$0x3FFE];
	_ =	sdelay $0x1  }
0x8a: {  	s1 =	srdreg.scid  }
0x8b: {  	s0 =	sand.u32 $0x1, s1  }
0x8c: {  	s17 =	sshll.u32 s0, $0xA;
	s2 =	sadd.s32 s3, s2  }
0x8d: {  	s2 =	sadd.s32 s2, s17  }
0x8e: {  	[smem:$0x3FC0] =	sst s2  }
0x8f: {  	_ = 	snop  }
0x90: {  	s2 =	sld [smem:$0x3FD0];
	(tm) =	ssettm $0x1  }
0x91: {  	s18 =	sld [smem:$0x3FFB];
	_ =	sdelay $0x3  }
0x92: {  	_ =	strace s18  }
0x93: {  	s3 =	sld [smem:$0x3FFC];
	_ =	sdelay $0x3  }
0x94: {  	_ =	strace s3  }
0x95: {  	s3 =	sld [smem:$0x3FFD];
	_ =	sdelay $0x3  }
0x96: {  	_ =	strace s3  }
0x97: {  	_ =	strace $0x8FFFFFFF  }
0x98: {  	s19 =	sld [smem:$0x3FDB];
	_ =	sdelay $0x1  }
0x99: {  	s4 =	simm.s32 $_scs_section_size  }
0x9a: {  	s5 =	simm.s32 $_size__tile_overlayer_lowered;
	s6 =	simm.s32 $_tile_overlayer_lowered  }
0x9b: {  	s22 =	simm.s32 $0x1BFF;
	s21 =	sshll.u32 s6, $0x1;
	s3 =	sadd.s32 s4, s19  }
0x9c: {  	s7 =	simm.s32 $0x0;
	s20 =	sshll.u32 s5, $0x1;
	s5 =	sadd.s32 s21, s3  }
0x9d: {  	[timem:s7], [sflag:s22] =	dma.local [hbm:s5], s20  }
0x9e: {  	_ =	swait.ge [sflag:s22], s20  }
0x9f: {  	s4 =	ssub.s32 $0x0, s20;
	[sflag:s22] =	ssyncset.done $0x0  }
0xa0: {  	[sflag:s22] =	ssyncadd.s32 s4;
	_ =	sdelay $0x1  }
0xa1: {  	s23 =	simm.s32 $0x1B8B  }
0xa2: {  	_ =	swait.ge [sflag:s23], $0x1  }
0xa3: {  	[sflag:s23] =	ssyncset.done $0x0  }
0xa4: {  	s25 =	simm.s32 $0x1B8E;
	s24 =	sld [smem:$0x3FFE];
	[sflag:s23] =	ssyncadd.s32 $0xFFFFFFFF  }
0xa5: {  	s26 =	simm.s32 $execute0_lowered;
	[smem:$0x3FD2] =	sst s25  }
0xa6: {  	s5 =	sshll.u32 s26, $0x1;
	_ =	strace $0x80000046;
	[dreg:$0x1] =	wrdreg $0xFFFFFFFF  }
0xa7: {  	s28 =	simm.s32 $_size_execute0_lowered;
	s3 =	sadd.s32 s3, s5;
	[dreg:$0x0] =	wrdreg $0x0  }
0xa8: {  	s5 =	sshll.u32 s28, $0x1;
	[dreg:$0x2] =	wrdreg s3  }
0xa9: {  	[dreg:$0x3] =	wrdreg s5  }
0xaa: {  	[dreg:$0x4] =	wrdreg $0xC0  }
0xab: {  	_ =	task [dreg:s7], $0x5FFFF  }
0xac: {  	[dreg:$0x1] =	wrdreg $0xFFFFFFFF  }
0xad: {  	[dreg:$0x0] =	wrdreg $0x60  }
0xae: {  	[dreg:$0x2] =	wrdreg s2  }
0xaf: {  	[dreg:$0x3] =	wrdreg s24  }
0xb0: {  	[dreg:$0x4] =	wrdreg $0x98000  }
0xb1: {  	[dreg:$0x5] =	wrdreg $0x9  }
0xb2: {  	_ =	task.clear_ibuf [dreg:s7], $0x6FFFF;
	_ =	strace $0x90000046  }
0xb3: {  	s29 =	simm.s32 $0x9;
	_ =	strace $0x80000048  }
0xb4: {  	_ =	swait.ge [sflag:s29], $0x1  }
0xb5: {  	[sflag:s29] =	ssyncadd.s32 $0xFFFFFFFF  }
0xb6: {  	_ =	strace $0x90000048  }
0xb7: {  	_ =	sfence  }
0xb8: {  	s30 =	sld [smem:$0x0];
	_ =	sdelay $0x2  }
0xb9: {  	s31 =	sshll.u32 s1, $0xD;
	s1 =	sshrl.u32 s1, $0x2  }
0xba: {  	s3 =	sand.u32 $0x4000, s31;
	s1 =	sadd.s32 s1, s30  }
0xbb: {  	s0 =	sor.u32 s3, s0;
	s1 =	sshll.u32 s1, $0x11  }
0xbc: {  	s0 =	sor.u32 s1, s0  }
0xbd: {  	s0 =	sadd.s32 $0x8F2B, s0  }
0xbe: {  	[sflag:s0] =	ssyncadd.remote.s32 $0x1  }
0xbf: {  	_ =	sfence.sel $0xFFFF  }
0xc0: {  	[dreg:$0x0] =	wrdreg $0xFFFFFFFF;
	(pc) =	sbr.abs _section_cstart, $3  }
0xc1: {  	[dreg:$0x1] =	wrdreg $0xFFFFFFFF  }
0xc2: {  	_ =	task.clear_ibuf [dreg:s7], $0x2FFFF;
	_ =	strace $0x9FFFFFFF  }
0xc3: {  	(tm) =	ssettm $0x7FFFFFFF  }
tec
execute0_lowered:
.L_overlay_start_1:
0x0: {  	(tag) =	ssettag $0x1  }
0x1: {  	s7 =	rddreg [dreg:$0x0]  }
0x2: {  	s6 =	rddreg [dreg:$0x1]  }
0x3: {  	s1 =	rddreg [dreg:$0x2];
	s2 =	srdreg.scid  }
0x4: {  	s0 =	rddreg [dreg:$0x3];
	s8 =	sand.u32 $0x1, s2  }
0x5: {  	s3 =	simm.s32 $0x0;
	s2 =	stileid.u32;
	s9 =	smul.u32 $0x13C000, s8  }
0x6: {  	s14 =	simm.s32 $0x64;
	s16 =	simm.s32 $0x0;
	s10 =	smul.u32 $0x13C00, s2  }
0x7: {  	[smem:$0x7FF] =	sst s3;
	s4 =	sadd.s32 $0x3A00, s6;
	s11 =	smul.u32 $0x64000, s8  }
0x8: {  	s5 =	sadd.s32 $0x4200, s6;
	s8 =	ssub.s32 $0x2, s8;
	s28 =	smul.u32 $0x6400, s2  }
0x9: {  	_ =	strace $0x80000047;
	s13 =	smul.u32 $0x4F000, s2;
	s12 =	sshrl.u32 s8, $0x1  }
0xa: {  	s15 =	sshll.u32 s2, $0x6;
	s9 =	sadd.s32 s10, s9;
	s12 =	ssub.s32 s8, s12  }
0xb: {  	s29 =	sadd.s32 s28, s11;
	s30 =	sshrl.u32 s13, $0x2;
	s11 =	simm.s32 $0x6400  }
0xc: {  	s13 =	simm.s32 $0x1;
	s9 =	sshrl.u32 s9, $0x3;
	s10 =	sshrl.u32 s29, $0x3  }
0xd: {  	s31 =	sadd.s32 s30, s1;
	s9 =	sadd.s32 s9, s6;
	s6 =	sor.u32 $0x1C01, s15  }
0xe: {  	s7 =	sadd.s32 s7, s10;
	s10 =	sshrl.u32 s31, $0x3;
	s15 =	sor.u32 $0x1C02, s15  }
0xf: {  	s8 =	sadd.s32 $0x6A00, s9;
	s9 =	smax.u32 s12, $0x1;
	s12 =	simm.s32 $0x2  }
.LBB2_1:
0x10: {  	[spmem:s10], [sflag:s6] =	dma.local [hbm:s5], $0x2780  }
0x11: {  	[tilespmem:s11], [sflag:$0x2] =	stream.linear.gather [hbm4b:s4+s3], $0x3200, $0x38;
	[tilespmem:$0xABC0] =	vst v63  }
0x12: {  	_ =	swait.ge [sflag:s12], $0x3200  }
0x13: {  	[sflag:s12] =	ssyncset.done $0x0  }
0x14: {  	[sflag:s12] =	ssyncadd.s32 $0xFFFFCE00  }
0x15: {  	[tilespmem:s3], [sflag:$0x2] =	stream.linear.gather [hbm4b:s7+s3], $0x6400, $0x38;
	[tilespmem:$0xABC0] =	vst v63  }
0x16: {  	_ =	swait.ge [sflag:s12], $0x6400  }
0x17: {  	[sflag:s12] =	ssyncset.done $0x0  }
0x18: {  	[sflag:s12] =	ssyncadd.s32 $0xFFFF9C00  }
0x19: {  	_ =	swait.ge [sflag:s13], $0x2780  }
0x1a: {  	[sflag:s13] =	ssyncset.done $0x0  }
0x1b: {  	p0 =	por $0x1, $0x1;
	[sflag:s13] =	ssyncadd.s32 $0xFFFFD880  }
0x1c: {  	s19 =	simm.s32 @!p0 $0x1;
	[bflag:$0x0] =	sbarrier.arrive $0xFFFF  }
0x1d: {  	[spmem:s1] =	stream.indirect.scatter.add.f32 [tilespmem:s11], [sflag:$0x1], $0x8, s3, s14, $0xb8;
	[tilespmem:$0xABC0] =	vst v63  }
0x1e: {  	_ =	swait.ge @!p0 [sflag:s19], $0x320  }
0x1f: {  	s17 =	simm.s32 $0x1;
	s18 =	simm.s32 $0x0;
	[sflag:s19] =	ssyncset.done @!p0 $0x0  }
.LBB2_2:
0x20: {  	[sflag:s19] =	ssyncadd.s32 @!p0 $0xFFFFFCE0  }
0x21: {  	s18 =	sadd.s32 $0x80, s18;
	s19 =	smov.u32 s17;
	s17 =	sadd.s32 $0x1, s17  }
0x22: {  	p1 =	sne.s32 s17, $0xC8  }
0x23: {  	[spmem:s1] =	stream.indirect.scatter.add.f32 [tilespmem:s11], [sflag:$0x1], $0x8, s18, s14, $0xb8;
	[tilespmem:$0xABC0] =	vst v63  }
.Ltmp0:
0x24: {  	_ = 	snop;
	(pc) =	sbr.rel @p1 .LBB2_2-.Ltmp0, $4  }
0x25: {  	p0 =	slt.u32 s19, $0x8  }
0x26: {  	s19 =	simm.s32 @!p0 $0x1  }
0x27: {  	_ =	swait.ge @!p0 [sflag:s19], $0x320  }
0x28: {  	[sflag:s19] =	ssyncset.done @!p0 $0x0  }
0x29: {  	[sflag:s19] =	ssyncadd.s32 @!p0 $0xFFFFFCE0  }
0x2a: {  	_ =	swait.ge [sflag:s13], $0x320  }
0x2b: {  	[sflag:s13] =	ssyncset.done $0x0  }
0x2c: {  	[sflag:s13] =	ssyncadd.s32 $0xFFFFFCE0  }
0x2d: {  	_ =	swait.ge [sflag:s13], $0x320  }
0x2e: {  	[sflag:s13] =	ssyncset.done $0x0  }
0x2f: {  	[sflag:s13] =	ssyncadd.s32 $0xFFFFFCE0  }
0x30: {  	_ =	swait.ge [sflag:s13], $0x320  }
0x31: {  	[sflag:s13] =	ssyncset.done $0x0  }
0x32: {  	[sflag:s13] =	ssyncadd.s32 $0xFFFFFCE0  }
0x33: {  	_ =	swait.ge [sflag:s13], $0x320  }
0x34: {  	[sflag:s13] =	ssyncset.done $0x0  }
0x35: {  	[sflag:s13] =	ssyncadd.s32 $0xFFFFFCE0  }
0x36: {  	_ =	swait.ge [sflag:s13], $0x320  }
0x37: {  	[sflag:s13] =	ssyncset.done $0x0  }
0x38: {  	[sflag:s13] =	ssyncadd.s32 $0xFFFFFCE0  }
0x39: {  	_ =	swait.ge [sflag:s13], $0x320  }
0x3a: {  	[sflag:s13] =	ssyncset.done $0x0  }
0x3b: {  	[sflag:s13] =	ssyncadd.s32 $0xFFFFFCE0  }
0x3c: {  	_ =	swait.ge [sflag:s13], $0x320  }
0x3d: {  	[sflag:s13] =	ssyncset.done $0x0  }
0x3e: {  	[sflag:s13] =	ssyncadd.s32 $0xFFFFFCE0  }
0x3f: {  	_ =	swait.ge [sflag:s13], $0x320  }
0x40: {  	s16 =	sadd.s32 $0x1, s16;
	[sflag:s13] =	ssyncset.done $0x0  }
0x41: {  	p0 =	sne.s32 s16, s9;
	[sflag:s13] =	ssyncadd.s32 $0xFFFFFCE0  }
.Ltmp1:
0x42: {  	[bflag:$0x0] =	sbarrier.arrive $0xFFFF;
	(pc) =	sbr.rel @p0 .LBB2_1-.Ltmp1, $4  }
0x43: {  	[hbm:s8], [sflag:s15] =	dma.local [spmem:s10], $0x2780  }
0x44: {  	_ =	swait.ge [sflag:s12], $0x2780  }
0x45: {  	[sflag:s12] =	ssyncset.done $0x0  }
0x46: {  	[sflag:s12] =	ssyncadd.s32 $0xFFFFD880  }
0x47: {  	_ =	sfence.sel $0x180000  }
0x48: {  	[bflag:$0x0] =	sbarrier.arrive $0xFFFF  }
0x49: {  	p0 =	sne.s32 s2, $0x0;
	_ =	strace $0x90000047  }
0x4a: {  	s0 =	sadd.s32 @!p0 $0x100000, s0;
	[bflag:$0x2] =	sbarrier.arrive $0xFFFF  }
0x4b: {  	[sflag:s0] =	ssyncadd.tile.s32 @!p0 $0x1;
	_ =	shalt  }
.Lfunc_end2:
_tile_overlayer_lowered:
.L_overlay_start_2:
0x4c: {  	(tag) =	ssettag $0x2  }
0x4d: {  	s0 =	rddreg [dreg:$0x0];
	s2 =	stileid.u32  }
0x4e: {  	s1 =	rddreg [dreg:$0x1];
	p0 =	sne.s32 s2, $0x0  }
0x4f: {  	s3 =	rddreg [dreg:$0x2];
	[bflag:$0x3] =	sbarrier.arrive $0xFFFF;
	s2 =	simm.s32 @!p0 $0x1C02  }
0x50: {  	[timem:s3], [sflag:s2] =	dma.local @!p0 [hbm:s0], s1  }
0x51: {  	s0 =	simm.s32 @!p0 $0x2  }
0x52: {  	_ =	swait.ge @!p0 [sflag:s0], s1  }
0x53: {  	s1 =	ssub.s32 @!p0 $0x0, s1;
	[sflag:s0] =	ssyncset.done @!p0 $0x0  }
0x54: {  	[sflag:s0] =	ssyncadd.s32 @!p0 s1  }
0x55: {  	[bflag:$0x3] =	sbarrier.arrive $0xFFFF  }
0x56: {  	_ =	shalt  }

// kernel: kernel.13.cloned.1.call-start
scs
__scs_entry_jumppad:
0x0: {  	(pc) =	sbr.rel $0x88, $3  }
0x1: {  	(tag) =	ssettag $0x0;
	lr =	simm.s32 $0x1  }
0x2: {  	[smem:$0x3F99] =	sst lr;
	_ =	strace $0xD0000000  }
0x3: {  	_ = 	snop  }
0x4: {  	_ = 	snop  }
0x5: {  	_ = 	snop  }
0x6: {  	_ = 	snop  }
0x7: {  	_ = 	snop  }
__scs_overlays_trampoline_lowered:
0x8: {  	[smem:$0x3FA8] =	sst s0  }
0x9: {  	[smem:$0x3FA9] =	sst s1  }
0xa: {  	[smem:$0x3FAA] =	sst s2  }
0xb: {  	[smem:$0x3FAB] =	sst s3  }
0xc: {  	[smem:$0x3FAC] =	sst s4  }
0xd: {  	[smem:$0x3FAD] =	sst s5  }
0xe: {  	[smem:$0x3FAE] =	sst s6  }
0xf: {  	[smem:$0x3FAF] =	sst s7  }
0x10: {  	[smem:$0x3FB0] =	sst s8  }
0x11: {  	[smem:$0x3FB1] =	sst s9;
	s0 =	simm.s32 @!p0 $0x0  }
0x12: {  	s1 =	sld [smem:$0x3F97];
	s0 =	simm.s32 @p0 $0x1  }
0x13: {  	[smem:$0x3FB2] =	sst s0;
	s0 =	simm.s32 @!p1 $0x0  }
0x14: {  	s2 =	sld [smem:$0x3F96];
	s0 =	simm.s32 @p1 $0x1  }
0x15: {  	[smem:$0x3FB3] =	sst s0;
	s0 =	simm.s32 @!p2 $0x0  }
0x16: {  	s3 =	sld [smem:$0x3FDB];
	s0 =	simm.s32 @p2 $0x1  }
0x17: {  	s4 =	simm.s32 $0x1BF5;
	[smem:$0x3FB5] =	sst s0  }
0x18: {  	s0 =	sld [smem:$0x3F98];
	_ =	swait.ge [sflag:s4], $0x0  }
0x19: {  	s7 =	sld [smem:$0x3F99]  }
0x1a: {  	s8 =	sadd.s32 $0xFFFFE003, lr  }
0x1b: {  	s9 =	sadd.s32 $0xFFFFFEF7, lr;
	s5 =	simm.s32 $0xFFFFFFFF;
	p2 =	slt.u32 s8, $0xFFFFF086  }
0x1c: {  	p1 =	slt.u32 s9, $0xF7A;
	s5 =	simm.s32 @!p2 $0x0  }
0x1d: {  	s5 =	simm.s32 @p1 $0x1;
	p0 =	seq.s32 s7, s2  }
0x1e: {  	s7 =	smul.u32 @!p0 $0xF7A, s2;
	p2 =	seq.s32 @!p0 s5, $0x0  }
0x1f: {  	s9 =	smul.u32 $0xF7A, s1;
	s8 =	simm.s32 @!p0 $0x1BF5;
	p2 =	por !p2, p0  }
0x20: {  	[sflag:s8] =	ssyncset.s32 @!p0 $0xFFFFF086;
	s6 =	sadd.s32 @!p0 s3, s7;
	s7 =	simm.s32 @!p0 $0x108  }
0x21: {  	s3 =	sadd.s32 s3, s9;
	s6 =	sadd.s32 @!p0 $0x88, s6;
	s7 =	simm.s32 @p2 $0x1082  }
0x22: {  	[simem:s7], [sflag:s8] =	dma.local @!p0 [hbm:s6], $0xF7A  }
0x23: {  	s9 =	sor.u32 $0xD0000000, s2;
	s6 =	simm.s32 $0x108;
	_ =	swait.ge @!p0 [sflag:s8], $0x0  }
0x24: {  	s3 =	sadd.s32 $0x88, s3;
	s6 =	simm.s32 @!p1 $0x1082;
	[sflag:s4] =	ssyncset.s32 $0xFFFFF086  }
0x25: {  	[simem:s6], [sflag:s4] =	dma.local [hbm:s3], $0xF7A  }
0x26: {  	[smem:$0x3F99] =	sst s1;
	(tag) =	ssettag s2;
	_ =	strace s9  }
0x27: {  	s1 =	sld [smem:$0x3FA9]  }
0x28: {  	s2 =	sld [smem:$0x3FAA]  }
0x29: {  	s4 =	sld [smem:$0x3FAC]  }
0x2a: {  	p0 =	seq.s32 s5, $0x0;
	s5 =	sld [smem:$0x3FAD]  }
0x2b: {  	s6 =	sld [smem:$0x3FAE]  }
0x2c: {  	s7 =	sld [smem:$0x3FAF]  }
0x2d: {  	s3 =	simm.s32 $0x108;
	s8 =	sld [smem:$0x3FB0]  }
0x2e: {  	s3 =	simm.s32 @!p0 $0x1082;
	s9 =	sld [smem:$0x3FB1]  }
0x2f: {  	lr =	sadd.s32 s0, s3;
	s0 =	sld [smem:$0x3FA8]  }
0x30: {  	s3 =	sld [smem:$0x3FAB]  }
0x31: {  	[smem:$0x3FB4] =	sst s10  }
0x32: {  	s10 =	sld [smem:$0x3FB2];
	_ =	sdelay $0x3  }
0x33: {  	p0 =	seq.s32 s10, $0x1;
	s10 =	sld [smem:$0x3FB4];
	_ =	sdelay $0x3  }
0x34: {  	[smem:$0x3FB4] =	sst s10  }
0x35: {  	s10 =	sld [smem:$0x3FB3];
	_ =	sdelay $0x3  }
0x36: {  	p1 =	seq.s32 s10, $0x1;
	s10 =	sld [smem:$0x3FB4];
	_ =	sdelay $0x3  }
0x37: {  	[smem:$0x3FB4] =	sst s10  }
0x38: {  	s10 =	sld [smem:$0x3FB5]  }
0x39: {  	_ = 	snop;
	(pc) =	sbr.ind lr, $3  }
0x3a: {  	_ = 	snop  }
0x3b: {  	_ = 	snop  }
0x3c: {  	p2 =	seq.s32 s10, $0x1;
	s10 =	sld [smem:$0x3FB4]  }
0x3d: {  	_ =	shalt  }
0x3e: {  	_ =	shalt  }
0x3f: {  	_ =	shalt  }
0x40: {  	_ =	shalt  }
0x41: {  	_ =	shalt  }
0x42: {  	_ =	shalt  }
0x43: {  	_ =	shalt  }
0x44: {  	_ =	shalt  }
0x45: {  	_ =	shalt  }
0x46: {  	_ =	shalt  }
0x47: {  	_ =	shalt  }
0x48: {  	_ =	shalt  }
0x49: {  	_ =	shalt  }
0x4a: {  	_ =	shalt  }
0x4b: {  	_ =	shalt  }
0x4c: {  	_ =	shalt  }
0x4d: {  	_ =	shalt  }
0x4e: {  	_ =	shalt  }
0x4f: {  	_ =	shalt  }
0x50: {  	_ =	shalt  }
0x51: {  	_ =	shalt  }
0x52: {  	_ =	shalt  }
0x53: {  	_ =	shalt  }
0x54: {  	_ =	shalt  }
0x55: {  	_ =	shalt  }
0x56: {  	_ =	shalt  }
0x57: {  	_ =	shalt  }
0x58: {  	_ =	shalt  }
0x59: {  	_ =	shalt  }
0x5a: {  	_ =	shalt  }
0x5b: {  	_ =	shalt  }
0x5c: {  	_ =	shalt  }
0x5d: {  	_ =	shalt  }
0x5e: {  	_ =	shalt  }
0x5f: {  	_ =	shalt  }
0x60: {  	_ =	shalt  }
0x61: {  	_ =	shalt  }
0x62: {  	_ =	shalt  }
0x63: {  	_ =	shalt  }
0x64: {  	_ =	shalt  }
0x65: {  	_ =	shalt  }
0x66: {  	_ =	shalt  }
0x67: {  	_ =	shalt  }
0x68: {  	_ =	shalt  }
0x69: {  	_ =	shalt  }
0x6a: {  	_ =	shalt  }
0x6b: {  	_ =	shalt  }
0x6c: {  	_ =	shalt  }
0x6d: {  	_ =	shalt  }
0x6e: {  	_ =	shalt  }
0x6f: {  	_ =	shalt  }
0x70: {  	_ =	shalt  }
0x71: {  	_ =	shalt  }
0x72: {  	_ =	shalt  }
0x73: {  	_ =	shalt  }
0x74: {  	_ =	shalt  }
0x75: {  	_ =	shalt  }
0x76: {  	_ =	shalt  }
0x77: {  	_ =	shalt  }
0x78: {  	_ =	shalt  }
0x79: {  	_ =	shalt  }
0x7a: {  	_ =	shalt  }
0x7b: {  	_ =	shalt  }
0x7c: {  	_ =	shalt  }
0x7d: {  	_ =	shalt  }
0x7e: {  	_ =	shalt  }
0x7f: {  	_ =	shalt  }
0x80: {  	_ =	shalt  }
0x81: {  	_ =	shalt  }
0x82: {  	_ =	shalt  }
0x83: {  	_ =	shalt  }
0x84: {  	_ =	shalt  }
0x85: {  	_ =	shalt  }
0x86: {  	_ =	shalt  }
0x87: {  	_ =	shalt  }
.Lfunc_end0:
.L_simem_size_0:
called_computation.1_lowered:
.L_overlay_start_0:
0x88: {  	s2 =	sld [smem:$0x3FD9]  }
0x89: {  	s3 =	sld [smem:$0x3FFE];
	_ =	sdelay $0x1  }
0x8a: {  	s1 =	srdreg.scid  }
0x8b: {  	s0 =	sand.u32 $0x1, s1  }
0x8c: {  	s17 =	sshll.u32 s0, $0xA;
	s2 =	sadd.s32 s3, s2  }
0x8d: {  	s2 =	sadd.s32 s2, s17  }
0x8e: {  	[smem:$0x3FC0] =	sst s2  }
0x8f: {  	_ = 	snop  }
0x90: {  	s2 =	sld [smem:$0x3FD0];
	(tm) =	ssettm $0x1  }
0x91: {  	s18 =	sld [smem:$0x3FFB];
	_ =	sdelay $0x3  }
0x92: {  	_ =	strace s18  }
0x93: {  	s3 =	sld [smem:$0x3FFC];
	_ =	sdelay $0x3  }
0x94: {  	_ =	strace s3  }
0x95: {  	s3 =	sld [smem:$0x3FFD];
	_ =	sdelay $0x3  }
0x96: {  	_ =	strace s3  }
0x97: {  	_ =	strace $0x8FFFFFFF  }
0x98: {  	s19 =	sld [smem:$0x3FDB];
	_ =	sdelay $0x1  }
0x99: {  	s4 =	simm.s32 $_scs_section_size  }
0x9a: {  	s5 =	simm.s32 $_size__tile_overlayer_lowered;
	s6 =	simm.s32 $_tile_overlayer_lowered  }
0x9b: {  	s22 =	simm.s32 $0x1BFF;
	s21 =	sshll.u32 s6, $0x1;
	s3 =	sadd.s32 s4, s19  }
0x9c: {  	s7 =	simm.s32 $0x0;
	s20 =	sshll.u32 s5, $0x1;
	s5 =	sadd.s32 s21, s3  }
0x9d: {  	[timem:s7], [sflag:s22] =	dma.local [hbm:s5], s20  }
0x9e: {  	_ =	swait.ge [sflag:s22], s20  }
0x9f: {  	s4 =	ssub.s32 $0x0, s20;
	[sflag:s22] =	ssyncset.done $0x0  }
0xa0: {  	[sflag:s22] =	ssyncadd.s32 s4;
	_ =	sdelay $0x1  }
0xa1: {  	s23 =	simm.s32 $0x1B8B  }
0xa2: {  	_ =	swait.ge [sflag:s23], $0x1  }
0xa3: {  	[sflag:s23] =	ssyncset.done $0x0  }
0xa4: {  	s25 =	simm.s32 $0x1B8E;
	s24 =	sld [smem:$0x3FFE];
	[sflag:s23] =	ssyncadd.s32 $0xFFFFFFFF  }
0xa5: {  	s26 =	simm.s32 $execute0_lowered;
	[smem:$0x3FD2] =	sst s25  }
0xa6: {  	s5 =	sshll.u32 s26, $0x1;
	_ =	strace $0x80000049;
	[dreg:$0x1] =	wrdreg $0xFFFFFFFF  }
0xa7: {  	s28 =	simm.s32 $_size_execute0_lowered;
	s3 =	sadd.s32 s3, s5;
	[dreg:$0x0] =	wrdreg $0x0  }
0xa8: {  	s5 =	sshll.u32 s28, $0x1;
	[dreg:$0x2] =	wrdreg s3  }
0xa9: {  	[dreg:$0x3] =	wrdreg s5  }
0xaa: {  	[dreg:$0x4] =	wrdreg $0xC0  }
0xab: {  	_ =	task [dreg:s7], $0x5FFFF  }
0xac: {  	[dreg:$0x1] =	wrdreg $0xFFFFFFFF  }
0xad: {  	[dreg:$0x0] =	wrdreg $0x60  }
0xae: {  	[dreg:$0x2] =	wrdreg s2  }
0xaf: {  	[dreg:$0x3] =	wrdreg s24  }
0xb0: {  	[dreg:$0x4] =	wrdreg $0xB7800  }
0xb1: {  	[dreg:$0x5] =	wrdreg $0x9  }
0xb2: {  	_ =	task.clear_ibuf [dreg:s7], $0x6FFFF;
	_ =	strace $0x90000049  }
0xb3: {  	s29 =	simm.s32 $0x9;
	_ =	strace $0x8000004B  }
0xb4: {  	_ =	swait.ge [sflag:s29], $0x1  }
0xb5: {  	[sflag:s29] =	ssyncadd.s32 $0xFFFFFFFF  }
0xb6: {  	_ =	strace $0x9000004B  }
0xb7: {  	_ =	sfence  }
0xb8: {  	s30 =	sld [smem:$0x0];
	_ =	sdelay $0x2  }
0xb9: {  	s31 =	sshll.u32 s1, $0xD;
	s1 =	sshrl.u32 s1, $0x2  }
0xba: {  	s3 =	sand.u32 $0x4000, s31;
	s1 =	sadd.s32 s1, s30  }
0xbb: {  	s0 =	sor.u32 s3, s0;
	s1 =	sshll.u32 s1, $0x11  }
0xbc: {  	s0 =	sor.u32 s1, s0  }
0xbd: {  	s0 =	sadd.s32 $0x8F2B, s0  }
0xbe: {  	[sflag:s0] =	ssyncadd.remote.s32 $0x1  }
0xbf: {  	_ =	sfence.sel $0xFFFF  }
0xc0: {  	[dreg:$0x0] =	wrdreg $0xFFFFFFFF;
	(pc) =	sbr.abs _section_cstart, $3  }
0xc1: {  	[dreg:$0x1] =	wrdreg $0xFFFFFFFF  }
0xc2: {  	_ =	task.clear_ibuf [dreg:s7], $0x2FFFF;
	_ =	strace $0x9FFFFFFF  }
0xc3: {  	(tm) =	ssettm $0x7FFFFFFF  }
tec
execute0_lowered:
.L_overlay_start_1:
0x0: {  	(tag) =	ssettag $0x1  }
0x1: {  	s1 =	srdreg.scid  }
0x2: {  	s0 =	stileid.u32;
	s7 =	rddreg [dreg:$0x1]  }
0x3: {  	s3 =	rddreg [dreg:$0x2];
	s14 =	simm.s32 $0x5;
	s15 =	simm.s32 $0x2780  }
0x4: {  	s16 =	simm.s32 $0x2;
	s17 =	simm.s32 $0x50;
	s18 =	simm.s32 $0x6780  }
0x5: {  	s19 =	simm.s32 $0x1;
	s20 =	simm.s32 $0x8F80;
	s21 =	simm.s32 $0x2800  }
0x6: {  	s22 =	simm.s32 $0x3;
	s23 =	simm.s32 $0xA0;
	s9 =	smul.u32 $0x13C00, s0  }
0x7: {  	s28 =	simm.s32 $0x0;
	s6 =	sand.u32 $0x1, s1;
	s13 =	smul.u32 $0x4F000, s0  }
0x8: {  	s1 =	rddreg [dreg:$0x0];
	s2 =	sshrl.u32 s0, $0x3;
	s4 =	smul.u32 $0x27800, s6  }
0x9: {  	s8 =	sshll.u32 s0, $0x7;
	s25 =	sshll.u32 s0, $0xB;
	s5 =	smul.u32 $0x13C00, s2  }
0xa: {  	s8 =	sand.u32 $0x380, s8;
	s24 =	smul.u32 $0x13C000, s6;
	s11 =	sadd.s32 s25, s7  }
0xb: {  	s29 =	ssub.s32 $0x2, s6;
	s25 =	sshll.u32 s0, $0x6;
	s31 =	sshll.u32 s6, $0xF  }
0xc: {  	s12 =	sshrl.u32 s29, $0x1;
	s30 =	sshrl.u32 s13, $0x2;
	s6 =	sor.u32 $0x1C02, s25  }
0xd: {  	s25 =	sor.u32 $0x1C05, s25;
	s5 =	sadd.s32 s4, s5;
	s4 =	simm.s32 $0x0  }
0xe: {  	s26 =	sadd.s32 s9, s24;
	s12 =	ssub.s32 s29, s12;
	s13 =	sadd.s32 s30, s3  }
0xf: {  	s24 =	simm.s32 $0x4;
	s5 =	sor.u32 s8, s5;
	[smem:$0x7FF] =	sst s4  }
0x10: {  	s9 =	sshrl.u32 s26, $0x3;
	s8 =	sadd.s32 s31, s11;
	s11 =	sshrl.u32 s13, $0x3  }
0x11: {  	s13 =	simm.s32 $0x400;
	s26 =	simm.s32 $0x6580;
	s5 =	sshrl.u32 s5, $0x3  }
0x12: {  	_ =	strace $0x8000004A;
	s9 =	sadd.s32 s9, s7;
	s8 =	sadd.s32 $0x55A00, s8  }
0x13: {  	s10 =	sadd.s32 s5, s7;
	s5 =	sadd.s32 $0x3A00, s7;
	s9 =	sadd.s32 $0x6F800, s9  }
0x14: {  	s7 =	sadd.s32 $0x65A00, s10;
	s10 =	smax.u32 s12, $0x1;
	s12 =	simm.s32 $0x80  }
.LBB2_1:
0x15: {  	[spmem:s11], [sflag:s6] =	dma.local [hbm:s5], $0x2780  }
0x16: {  	[tilespmem:s4], [sflag:$0x5] =	stream.strided.gather [hbm4b:s7+s12], $0x2780, s13, s12, $0x38;
	[tilespmem:$0x1F380] =	vst v63  }
0x17: {  	_ =	swait.ge [sflag:s14], $0x2780  }
0x18: {  	[sflag:s14] =	ssyncset.done $0x0  }
0x19: {  	[sflag:s14] =	ssyncadd.s32 $0xFFFFD880  }
0x1a: {  	[tilespmem:s15], [sflag:$0x5] =	stream.linear.gather [hbm4b:s8+s4], $0x3E80, $0x38;
	[tilespmem:$0x1F380] =	vst v63  }
0x1b: {  	_ =	swait.ge [sflag:s14], $0x3E80  }
0x1c: {  	[sflag:s14] =	ssyncset.done $0x0  }
0x1d: {  	[sflag:s14] =	ssyncadd.s32 $0xFFFFC180  }
0x1e: {  	_ =	swait.ge [sflag:s16], $0x2780  }
0x1f: {  	[sflag:s16] =	ssyncset.done $0x0  }
0x20: {  	[sflag:s16] =	ssyncadd.s32 $0xFFFFD880  }
0x21: {  	[tilespmem:s18], [sflag:$0x1] =	stream.indirect.gather [hbm4b:s1+s17], $0x80, s4, s17, $0xb8;
	[tilespmem:$0x1F380] =	vst v63  }
0x22: {  	[bflag:$0x0] =	sbarrier.arrive $0xFFFF  }
0x23: {  	_ =	swait.ge [sflag:s19], $0x2800  }
0x24: {  	[sflag:s19] =	ssyncset.done $0x0  }
0x25: {  	[sflag:s19] =	ssyncadd.s32 $0xFFFFD800  }
0x26: {  	[spmem:s3] =	stream.indirect.scatter.add.f32 [tilespmem:s18], [sflag:$0x3], $0x80, s15, s17, $0xb8;
	[tilespmem:$0x1F380] =	vst v63  }
0x27: {  	_ = 	snop  }
0x28: {  	[tilespmem:s20], [sflag:$0x2] =	stream.indirect.gather [hbm4b:s1+s17], $0x80, s17, s17, $0xb8;
	[tilespmem:$0x1F380] =	vst v63  }
0x29: {  	_ =	swait.ge [sflag:s16], $0x2800  }
0x2a: {  	[sflag:s16] =	ssyncset.done $0x0  }
0x2b: {  	[sflag:s16] =	ssyncadd.s32 $0xFFFFD800  }
0x2c: {  	[spmem:s3] =	stream.indirect.scatter.add.f32 [tilespmem:s20], [sflag:$0x4], $0x80, s21, s17, $0xb8;
	[tilespmem:$0x1F380] =	vst v63  }
0x2d: {  	_ =	swait.ge [sflag:s22], $0x2800  }
0x2e: {  	[sflag:s22] =	ssyncset.done $0x0  }
0x2f: {  	[sflag:s22] =	ssyncadd.s32 $0xFFFFD800  }
0x30: {  	[tilespmem:s18], [sflag:$0x1] =	stream.indirect.gather [hbm4b:s1+s17], $0x80, s23, s17, $0xb8;
	[tilespmem:$0x1F380] =	vst v63  }
0x31: {  	_ =	swait.ge [sflag:s19], $0x2800  }
0x32: {  	[sflag:s19] =	ssyncset.done $0x0  }
0x33: {  	s29 =	simm.s32 $0x2880;
	[sflag:s19] =	ssyncadd.s32 $0xFFFFD800  }
0x34: {  	[spmem:s3] =	stream.indirect.scatter.add.f32 [tilespmem:s18], [sflag:$0x3], $0x80, s29, s17, $0xb8;
	[tilespmem:$0x1F380] =	vst v63  }
0x35: {  	_ =	swait.ge [sflag:s24], $0x2800  }
0x36: {  	[sflag:s24] =	ssyncset.done $0x0  }
0x37: {  	s29 =	simm.s32 $0xF0;
	[sflag:s24] =	ssyncadd.s32 $0xFFFFD800  }
0x38: {  	[tilespmem:s20], [sflag:$0x2] =	stream.indirect.gather [hbm4b:s1+s17], $0x80, s29, s17, $0xb8;
	[tilespmem:$0x1F380] =	vst v63  }
0x39: {  	_ =	swait.ge [sflag:s16], $0x2800  }
0x3a: {  	[sflag:s16] =	ssyncset.done $0x0  }
0x3b: {  	s29 =	simm.s32 $0x2900;
	[sflag:s16] =	ssyncadd.s32 $0xFFFFD800  }
0x3c: {  	[spmem:s3] =	stream.indirect.scatter.add.f32 [tilespmem:s20], [sflag:$0x4], $0x80, s29, s17, $0xb8;
	[tilespmem:$0x1F380] =	vst v63  }
0x3d: {  	_ =	swait.ge [sflag:s22], $0x2800  }
0x3e: {  	s31 =	simm.s32 $0x140;
	[sflag:s22] =	ssyncset.done $0x0  }
0x3f: {  	s30 =	simm.s32 $0x190;
	s29 =	simm.s32 $0xFFFF1000;
	[sflag:s22] =	ssyncadd.s32 $0xFFFFD800  }
.LBB2_2:
0x40: {  	[tilespmem:s18], [sflag:$0x1] =	stream.indirect.gather [hbm4b:s1+s17], $0x80, s31, s17, $0xb8;
	[tilespmem:$0x1F380] =	vst v63  }
0x41: {  	s31 =	smov.u32 s29  }
0x42: {  	p0 =	sne.s32 s29, $0xFFFFFC00;
	s29 =	sadd.s32 $0x400, s29;
	_ =	swait.ge [sflag:s19], $0x2800  }
0x43: {  	s31 =	sshra.s32 s31, $0x2;
	[sflag:s19] =	ssyncset.done $0x0  }
0x44: {  	s2 =	sadd.s32 $0x6580, s31;
	[sflag:s19] =	ssyncadd.s32 $0xFFFFD800  }
0x45: {  	[spmem:s3] =	stream.indirect.scatter.add.f32 [tilespmem:s18], [sflag:$0x3], $0x80, s2, s17, $0xb8;
	[tilespmem:$0x1F380] =	vst v63  }
0x46: {  	_ =	swait.ge [sflag:s24], $0x2800  }
0x47: {  	[sflag:s24] =	ssyncset.done $0x0  }
0x48: {  	[sflag:s24] =	ssyncadd.s32 $0xFFFFD800  }
0x49: {  	[tilespmem:s20], [sflag:$0x2] =	stream.indirect.gather [hbm4b:s1+s17], $0x80, s30, s17, $0xb8;
	[tilespmem:$0x1F380] =	vst v63  }
0x4a: {  	_ =	swait.ge [sflag:s16], $0x2800  }
0x4b: {  	[sflag:s16] =	ssyncset.done $0x0  }
.Ltmp0:
0x4c: {  	s2 =	sadd.s32 $0x6600, s31;
	[sflag:s16] =	ssyncadd.s32 $0xFFFFD800;
	(pc) =	sbr.rel @p0 .LBB2_2-.Ltmp0, $4  }
0x4d: {  	[spmem:s3] =	stream.indirect.scatter.add.f32 [tilespmem:s20], [sflag:$0x4], $0x80, s2, s17, $0xb8;
	[tilespmem:$0x1F380] =	vst v63  }
0x4e: {  	_ =	swait.ge [sflag:s22], $0x2800  }
0x4f: {  	[sflag:s22] =	ssyncset.done $0x0  }
0x50: {  	s31 =	sadd.s32 $0x50, s30;
	s30 =	sadd.s32 $0xA0, s30;
	[sflag:s22] =	ssyncadd.s32 $0xFFFFD800  }
0x51: {  	[tilespmem:s18], [sflag:$0x1] =	stream.indirect.gather [hbm4b:s1+s17], $0x80, s31, s17, $0xb8;
	[tilespmem:$0x1F380] =	vst v63  }
0x52: {  	_ =	swait.ge [sflag:s19], $0x2800  }
0x53: {  	[sflag:s19] =	ssyncset.done $0x0  }
0x54: {  	[sflag:s19] =	ssyncadd.s32 $0xFFFFD800  }
0x55: {  	[spmem:s3] =	stream.indirect.scatter.add.f32 [tilespmem:s18], [sflag:$0x3], $0x80, s26, s17, $0xb8;
	[tilespmem:$0x1F380] =	vst v63  }
0x56: {  	_ =	swait.ge [sflag:s24], $0x2800  }
0x57: {  	[sflag:s24] =	ssyncset.done $0x0  }
0x58: {  	[sflag:s24] =	ssyncadd.s32 $0xFFFFD800  }
0x59: {  	_ =	swait.ge [sflag:s22], $0x2800  }
0x5a: {  	s28 =	sadd.s32 $0x1, s28;
	[sflag:s22] =	ssyncset.done $0x0  }
0x5b: {  	p0 =	sne.s32 s28, s10;
	[sflag:s22] =	ssyncadd.s32 $0xFFFFD800  }
.Ltmp1:
0x5c: {  	[bflag:$0x0] =	sbarrier.arrive $0xFFFF;
	(pc) =	sbr.rel @p0 .LBB2_1-.Ltmp1, $4  }
0x5d: {  	[hbm:s9], [sflag:s25] =	dma.local [spmem:s11], $0x2780  }
0x5e: {  	_ =	swait.ge [sflag:s14], $0x2780  }
0x5f: {  	[sflag:s14] =	ssyncset.done $0x0  }
0x60: {  	[sflag:s14] =	ssyncadd.s32 $0xFFFFD880  }
0x61: {  	_ =	sfence.sel $0x180000  }
0x62: {  	[bflag:$0x0] =	sbarrier.arrive $0xFFFF  }
0x63: {  	_ =	strace $0x9000004A  }
0x64: {  	[bflag:$0x2] =	sbarrier.arrive $0xFFFF  }
0x65: {  	p0 =	sne.s32 s0, $0x0;
	s0 =	rddreg [dreg:$0x3]  }
0x66: {  	s0 =	sadd.s32 @!p0 $0x100000, s0  }
0x67: {  	[sflag:s0] =	ssyncadd.tile.s32 @!p0 $0x1;
	_ =	shalt  }
.Lfunc_end2:
_tile_overlayer_lowered:
.L_overlay_start_2:
0x68: {  	(tag) =	ssettag $0x2  }
0x69: {  	s0 =	rddreg [dreg:$0x0];
	s2 =	stileid.u32  }
0x6a: {  	s1 =	rddreg [dreg:$0x1];
	p0 =	sne.s32 s2, $0x0  }
0x6b: {  	s3 =	rddreg [dreg:$0x2];
	[bflag:$0x3] =	sbarrier.arrive $0xFFFF;
	s2 =	simm.s32 @!p0 $0x1C05  }
0x6c: {  	[timem:s3], [sflag:s2] =	dma.local @!p0 [hbm:s0], s1  }
0x6d: {  	s0 =	simm.s32 @!p0 $0x5  }
0x6e: {  	_ =	swait.ge @!p0 [sflag:s0], s1  }
0x6f: {  	s1 =	ssub.s32 @!p0 $0x0, s1;
	[sflag:s0] =	ssyncset.done @!p0 $0x0  }
0x70: {  	[sflag:s0] =	ssyncadd.s32 @!p0 s1  }
0x71: {  	[bflag:$0x3] =	sbarrier.arrive $0xFFFF  }
0x72: {  	_ =	shalt  }

// kernel: kernel.16.cloned.1.call-start
scs
__scs_entry_jumppad:
0x0: {  	(pc) =	sbr.rel $0x88, $3  }
0x1: {  	(tag) =	ssettag $0x0;
	lr =	simm.s32 $0x1  }
0x2: {  	[smem:$0x3F99] =	sst lr;
	_ =	strace $0xD0000000  }
0x3: {  	_ = 	snop  }
0x4: {  	_ = 	snop  }
0x5: {  	_ = 	snop  }
0x6: {  	_ = 	snop  }
0x7: {  	_ = 	snop  }
__scs_overlays_trampoline_lowered:
0x8: {  	[smem:$0x3FA8] =	sst s0  }
0x9: {  	[smem:$0x3FA9] =	sst s1  }
0xa: {  	[smem:$0x3FAA] =	sst s2  }
0xb: {  	[smem:$0x3FAB] =	sst s3  }
0xc: {  	[smem:$0x3FAC] =	sst s4  }
0xd: {  	[smem:$0x3FAD] =	sst s5  }
0xe: {  	[smem:$0x3FAE] =	sst s6  }
0xf: {  	[smem:$0x3FAF] =	sst s7  }
0x10: {  	[smem:$0x3FB0] =	sst s8  }
0x11: {  	[smem:$0x3FB1] =	sst s9;
	s0 =	simm.s32 @!p0 $0x0  }
0x12: {  	s1 =	sld [smem:$0x3F97];
	s0 =	simm.s32 @p0 $0x1  }
0x13: {  	[smem:$0x3FB2] =	sst s0;
	s0 =	simm.s32 @!p1 $0x0  }
0x14: {  	s2 =	sld [smem:$0x3F96];
	s0 =	simm.s32 @p1 $0x1  }
0x15: {  	[smem:$0x3FB3] =	sst s0;
	s0 =	simm.s32 @!p2 $0x0  }
0x16: {  	s3 =	sld [smem:$0x3FDB];
	s0 =	simm.s32 @p2 $0x1  }
0x17: {  	s4 =	simm.s32 $0x1BF5;
	[smem:$0x3FB5] =	sst s0  }
0x18: {  	s0 =	sld [smem:$0x3F98];
	_ =	swait.ge [sflag:s4], $0x0  }
0x19: {  	s7 =	sld [smem:$0x3F99]  }
0x1a: {  	s8 =	sadd.s32 $0xFFFFE003, lr  }
0x1b: {  	s9 =	sadd.s32 $0xFFFFFEF7, lr;
	s5 =	simm.s32 $0xFFFFFFFF;
	p2 =	slt.u32 s8, $0xFFFFF086  }
0x1c: {  	p1 =	slt.u32 s9, $0xF7A;
	s5 =	simm.s32 @!p2 $0x0  }
0x1d: {  	s5 =	simm.s32 @p1 $0x1;
	p0 =	seq.s32 s7, s2  }
0x1e: {  	s7 =	smul.u32 @!p0 $0xF7A, s2;
	p2 =	seq.s32 @!p0 s5, $0x0  }
0x1f: {  	s9 =	smul.u32 $0xF7A, s1;
	s8 =	simm.s32 @!p0 $0x1BF5;
	p2 =	por !p2, p0  }
0x20: {  	[sflag:s8] =	ssyncset.s32 @!p0 $0xFFFFF086;
	s6 =	sadd.s32 @!p0 s3, s7;
	s7 =	simm.s32 @!p0 $0x108  }
0x21: {  	s3 =	sadd.s32 s3, s9;
	s6 =	sadd.s32 @!p0 $0x88, s6;
	s7 =	simm.s32 @p2 $0x1082  }
0x22: {  	[simem:s7], [sflag:s8] =	dma.local @!p0 [hbm:s6], $0xF7A  }
0x23: {  	s9 =	sor.u32 $0xD0000000, s2;
	s6 =	simm.s32 $0x108;
	_ =	swait.ge @!p0 [sflag:s8], $0x0  }
0x24: {  	s3 =	sadd.s32 $0x88, s3;
	s6 =	simm.s32 @!p1 $0x1082;
	[sflag:s4] =	ssyncset.s32 $0xFFFFF086  }
0x25: {  	[simem:s6], [sflag:s4] =	dma.local [hbm:s3], $0xF7A  }
0x26: {  	[smem:$0x3F99] =	sst s1;
	(tag) =	ssettag s2;
	_ =	strace s9  }
0x27: {  	s1 =	sld [smem:$0x3FA9]  }
0x28: {  	s2 =	sld [smem:$0x3FAA]  }
0x29: {  	s4 =	sld [smem:$0x3FAC]  }
0x2a: {  	p0 =	seq.s32 s5, $0x0;
	s5 =	sld [smem:$0x3FAD]  }
0x2b: {  	s6 =	sld [smem:$0x3FAE]  }
0x2c: {  	s7 =	sld [smem:$0x3FAF]  }
0x2d: {  	s3 =	simm.s32 $0x108;
	s8 =	sld [smem:$0x3FB0]  }
0x2e: {  	s3 =	simm.s32 @!p0 $0x1082;
	s9 =	sld [smem:$0x3FB1]  }
0x2f: {  	lr =	sadd.s32 s0, s3;
	s0 =	sld [smem:$0x3FA8]  }
0x30: {  	s3 =	sld [smem:$0x3FAB]  }
0x31: {  	[smem:$0x3FB4] =	sst s10  }
0x32: {  	s10 =	sld [smem:$0x3FB2];
	_ =	sdelay $0x3  }
0x33: {  	p0 =	seq.s32 s10, $0x1;
	s10 =	sld [smem:$0x3FB4];
	_ =	sdelay $0x3  }
0x34: {  	[smem:$0x3FB4] =	sst s10  }
0x35: {  	s10 =	sld [smem:$0x3FB3];
	_ =	sdelay $0x3  }
0x36: {  	p1 =	seq.s32 s10, $0x1;
	s10 =	sld [smem:$0x3FB4];
	_ =	sdelay $0x3  }
0x37: {  	[smem:$0x3FB4] =	sst s10  }
0x38: {  	s10 =	sld [smem:$0x3FB5]  }
0x39: {  	_ = 	snop;
	(pc) =	sbr.ind lr, $3  }
0x3a: {  	_ = 	snop  }
0x3b: {  	_ = 	snop  }
0x3c: {  	p2 =	seq.s32 s10, $0x1;
	s10 =	sld [smem:$0x3FB4]  }
0x3d: {  	_ =	shalt  }
0x3e: {  	_ =	shalt  }
0x3f: {  	_ =	shalt  }
0x40: {  	_ =	shalt  }
0x41: {  	_ =	shalt  }
0x42: {  	_ =	shalt  }
0x43: {  	_ =	shalt  }
0x44: {  	_ =	shalt  }
0x45: {  	_ =	shalt  }
0x46: {  	_ =	shalt  }
0x47: {  	_ =	shalt  }
0x48: {  	_ =	shalt  }
0x49: {  	_ =	shalt  }
0x4a: {  	_ =	shalt  }
0x4b: {  	_ =	shalt  }
0x4c: {  	_ =	shalt  }
0x4d: {  	_ =	shalt  }
0x4e: {  	_ =	shalt  }
0x4f: {  	_ =	shalt  }
0x50: {  	_ =	shalt  }
0x51: {  	_ =	shalt  }
0x52: {  	_ =	shalt  }
0x53: {  	_ =	shalt  }
0x54: {  	_ =	shalt  }
0x55: {  	_ =	shalt  }
0x56: {  	_ =	shalt  }
0x57: {  	_ =	shalt  }
0x58: {  	_ =	shalt  }
0x59: {  	_ =	shalt  }
0x5a: {  	_ =	shalt  }
0x5b: {  	_ =	shalt  }
0x5c: {  	_ =	shalt  }
0x5d: {  	_ =	shalt  }
0x5e: {  	_ =	shalt  }
0x5f: {  	_ =	shalt  }
0x60: {  	_ =	shalt  }
0x61: {  	_ =	shalt  }
0x62: {  	_ =	shalt  }
0x63: {  	_ =	shalt  }
0x64: {  	_ =	shalt  }
0x65: {  	_ =	shalt  }
0x66: {  	_ =	shalt  }
0x67: {  	_ =	shalt  }
0x68: {  	_ =	shalt  }
0x69: {  	_ =	shalt  }
0x6a: {  	_ =	shalt  }
0x6b: {  	_ =	shalt  }
0x6c: {  	_ =	shalt  }
0x6d: {  	_ =	shalt  }
0x6e: {  	_ =	shalt  }
0x6f: {  	_ =	shalt  }
0x70: {  	_ =	shalt  }
0x71: {  	_ =	shalt  }
0x72: {  	_ =	shalt  }
0x73: {  	_ =	shalt  }
0x74: {  	_ =	shalt  }
0x75: {  	_ =	shalt  }
0x76: {  	_ =	shalt  }
0x77: {  	_ =	shalt  }
0x78: {  	_ =	shalt  }
0x79: {  	_ =	shalt  }
0x7a: {  	_ =	shalt  }
0x7b: {  	_ =	shalt  }
0x7c: {  	_ =	shalt  }
0x7d: {  	_ =	shalt  }
0x7e: {  	_ =	shalt  }
0x7f: {  	_ =	shalt  }
0x80: {  	_ =	shalt  }
0x81: {  	_ =	shalt  }
0x82: {  	_ =	shalt  }
0x83: {  	_ =	shalt  }
0x84: {  	_ =	shalt  }
0x85: {  	_ =	shalt  }
0x86: {  	_ =	shalt  }
0x87: {  	_ =	shalt  }
.Lfunc_end0:
.L_simem_size_0:
called_computation.2_lowered:
.L_overlay_start_0:
0x88: {  	s2 =	sld [smem:$0x3FD9]  }
0x89: {  	s3 =	sld [smem:$0x3FFE];
	_ =	sdelay $0x1  }
0x8a: {  	s1 =	srdreg.scid  }
0x8b: {  	s0 =	sand.u32 $0x1, s1  }
0x8c: {  	s17 =	sshll.u32 s0, $0xA;
	s2 =	sadd.s32 s3, s2  }
0x8d: {  	s2 =	sadd.s32 s2, s17  }
0x8e: {  	[smem:$0x3FC0] =	sst s2  }
0x8f: {  	_ = 	snop  }
0x90: {  	s2 =	sld [smem:$0x3FD0];
	(tm) =	ssettm $0x1  }
0x91: {  	s18 =	sld [smem:$0x3FFB];
	_ =	sdelay $0x3  }
0x92: {  	_ =	strace s18  }
0x93: {  	s3 =	sld [smem:$0x3FFC];
	_ =	sdelay $0x3  }
0x94: {  	_ =	strace s3  }
0x95: {  	s3 =	sld [smem:$0x3FFD];
	_ =	sdelay $0x3  }
0x96: {  	_ =	strace s3  }
0x97: {  	_ =	strace $0x8FFFFFFF  }
0x98: {  	s19 =	sld [smem:$0x3FDB];
	_ =	sdelay $0x1  }
0x99: {  	s4 =	simm.s32 $_scs_section_size  }
0x9a: {  	s5 =	simm.s32 $_size__tile_overlayer_lowered;
	s6 =	simm.s32 $_tile_overlayer_lowered  }
0x9b: {  	s22 =	simm.s32 $0x1BFF;
	s21 =	sshll.u32 s6, $0x1;
	s3 =	sadd.s32 s4, s19  }
0x9c: {  	s7 =	simm.s32 $0x0;
	s20 =	sshll.u32 s5, $0x1;
	s5 =	sadd.s32 s21, s3  }
0x9d: {  	[timem:s7], [sflag:s22] =	dma.local [hbm:s5], s20  }
0x9e: {  	_ =	swait.ge [sflag:s22], s20  }
0x9f: {  	s4 =	ssub.s32 $0x0, s20;
	[sflag:s22] =	ssyncset.done $0x0  }
0xa0: {  	[sflag:s22] =	ssyncadd.s32 s4;
	_ =	sdelay $0x1  }
0xa1: {  	s23 =	simm.s32 $0x1B8B  }
0xa2: {  	_ =	swait.ge [sflag:s23], $0x1  }
0xa3: {  	[sflag:s23] =	ssyncset.done $0x0  }
0xa4: {  	s25 =	simm.s32 $0x1B8E;
	s24 =	sld [smem:$0x3FFE];
	[sflag:s23] =	ssyncadd.s32 $0xFFFFFFFF  }
0xa5: {  	s26 =	simm.s32 $execute0_lowered;
	[smem:$0x3FD2] =	sst s25  }
0xa6: {  	s5 =	sshll.u32 s26, $0x1;
	_ =	strace $0x8000004C;
	[dreg:$0x1] =	wrdreg $0xFFFFFFFF  }
0xa7: {  	s28 =	simm.s32 $_size_execute0_lowered;
	s3 =	sadd.s32 s3, s5;
	[dreg:$0x0] =	wrdreg $0x0  }
0xa8: {  	s5 =	sshll.u32 s28, $0x1;
	[dreg:$0x2] =	wrdreg s3  }
0xa9: {  	[dreg:$0x3] =	wrdreg s5  }
0xaa: {  	[dreg:$0x4] =	wrdreg $0xC0  }
0xab: {  	_ =	task [dreg:s7], $0x5FFFF  }
0xac: {  	[dreg:$0x1] =	wrdreg $0xFFFFFFFF  }
0xad: {  	[dreg:$0x0] =	wrdreg $0x60  }
0xae: {  	[dreg:$0x2] =	wrdreg s2  }
0xaf: {  	[dreg:$0x3] =	wrdreg s24  }
0xb0: {  	[dreg:$0x4] =	wrdreg $0xB7800  }
0xb1: {  	[dreg:$0x5] =	wrdreg $0x9  }
0xb2: {  	_ =	task.clear_ibuf [dreg:s7], $0x6FFFF;
	_ =	strace $0x9000004C  }
0xb3: {  	s29 =	simm.s32 $0x9;
	_ =	strace $0x8000004E  }
0xb4: {  	_ =	swait.ge [sflag:s29], $0x1  }
0xb5: {  	[sflag:s29] =	ssyncadd.s32 $0xFFFFFFFF  }
0xb6: {  	_ =	strace $0x9000004E  }
0xb7: {  	_ =	sfence  }
0xb8: {  	s30 =	sld [smem:$0x0];
	_ =	sdelay $0x2  }
0xb9: {  	s31 =	sshll.u32 s1, $0xD;
	s1 =	sshrl.u32 s1, $0x2  }
0xba: {  	s3 =	sand.u32 $0x4000, s31;
	s1 =	sadd.s32 s1, s30  }
0xbb: {  	s0 =	sor.u32 s3, s0;
	s1 =	sshll.u32 s1, $0x11  }
0xbc: {  	s0 =	sor.u32 s1, s0  }
0xbd: {  	s0 =	sadd.s32 $0x8F2B, s0  }
0xbe: {  	[sflag:s0] =	ssyncadd.remote.s32 $0x1  }
0xbf: {  	_ =	sfence.sel $0xFFFF  }
0xc0: {  	[dreg:$0x0] =	wrdreg $0xFFFFFFFF;
	(pc) =	sbr.abs _section_cstart, $3  }
0xc1: {  	[dreg:$0x1] =	wrdreg $0xFFFFFFFF  }
0xc2: {  	_ =	task.clear_ibuf [dreg:s7], $0x2FFFF;
	_ =	strace $0x9FFFFFFF  }
0xc3: {  	(tm) =	ssettm $0x7FFFFFFF  }
tec
execute0_lowered:
.L_overlay_start_1:
0x0: {  	(tag) =	ssettag $0x1  }
0x1: {  	s1 =	srdreg.scid  }
0x2: {  	s0 =	stileid.u32;
	s7 =	rddreg [dreg:$0x1]  }
0x3: {  	s3 =	rddreg [dreg:$0x2];
	s14 =	simm.s32 $0x5;
	s15 =	simm.s32 $0x2780  }
0x4: {  	s16 =	simm.s32 $0x2;
	s17 =	simm.s32 $0x50;
	s18 =	simm.s32 $0x6780  }
0x5: {  	s19 =	simm.s32 $0x1;
	s20 =	simm.s32 $0x8F80;
	s21 =	simm.s32 $0x2800  }
0x6: {  	s22 =	simm.s32 $0x3;
	s23 =	simm.s32 $0xA0;
	s9 =	smul.u32 $0x13C00, s0  }
0x7: {  	s28 =	simm.s32 $0x0;
	s6 =	sand.u32 $0x1, s1;
	s13 =	smul.u32 $0x4F000, s0  }
0x8: {  	s1 =	rddreg [dreg:$0x0];
	s2 =	sshrl.u32 s0, $0x3;
	s4 =	smul.u32 $0x27800, s6  }
0x9: {  	s8 =	sshll.u32 s0, $0x7;
	s25 =	sshll.u32 s0, $0xB;
	s5 =	smul.u32 $0x13C00, s2  }
0xa: {  	s8 =	sand.u32 $0x380, s8;
	s24 =	smul.u32 $0x13C000, s6;
	s11 =	sadd.s32 s25, s7  }
0xb: {  	s29 =	ssub.s32 $0x2, s6;
	s25 =	sshll.u32 s0, $0x6;
	s31 =	sshll.u32 s6, $0xF  }
0xc: {  	s12 =	sshrl.u32 s29, $0x1;
	s30 =	sshrl.u32 s13, $0x2;
	s6 =	sor.u32 $0x1C02, s25  }
0xd: {  	s25 =	sor.u32 $0x1C05, s25;
	s5 =	sadd.s32 s4, s5;
	s4 =	simm.s32 $0x0  }
0xe: {  	s26 =	sadd.s32 s9, s24;
	s12 =	ssub.s32 s29, s12;
	s13 =	sadd.s32 s30, s3  }
0xf: {  	s24 =	simm.s32 $0x4;
	s5 =	sor.u32 s8, s5;
	[smem:$0x7FF] =	sst s4  }
0x10: {  	s9 =	sshrl.u32 s26, $0x3;
	s8 =	sadd.s32 s31, s11;
	s11 =	sshrl.u32 s13, $0x3  }
0x11: {  	s13 =	simm.s32 $0x400;
	s26 =	simm.s32 $0x6580;
	s5 =	sshrl.u32 s5, $0x3  }
0x12: {  	_ =	strace $0x8000004D;
	s9 =	sadd.s32 s9, s7;
	s8 =	sadd.s32 $0x55A00, s8  }
0x13: {  	s10 =	sadd.s32 s5, s7;
	s5 =	sadd.s32 $0x3A00, s7;
	s9 =	sadd.s32 $0x6F800, s9  }
0x14: {  	s7 =	sadd.s32 $0x65A00, s10;
	s10 =	smax.u32 s12, $0x1;
	s12 =	simm.s32 $0x80  }
.LBB2_1:
0x15: {  	[spmem:s11], [sflag:s6] =	dma.local [hbm:s5], $0x2780  }
0x16: {  	[tilespmem:s4], [sflag:$0x5] =	stream.strided.gather [hbm4b:s7+s12], $0x2780, s13, s12, $0x38;
	[tilespmem:$0x1F380] =	vst v63  }
0x17: {  	_ =	swait.ge [sflag:s14], $0x2780  }
0x18: {  	[sflag:s14] =	ssyncset.done $0x0  }
0x19: {  	[sflag:s14] =	ssyncadd.s32 $0xFFFFD880  }
0x1a: {  	[tilespmem:s15], [sflag:$0x5] =	stream.linear.gather [hbm4b:s8+s4], $0x3E80, $0x38;
	[tilespmem:$0x1F380] =	vst v63  }
0x1b: {  	_ =	swait.ge [sflag:s14], $0x3E80  }
0x1c: {  	[sflag:s14] =	ssyncset.done $0x0  }
0x1d: {  	[sflag:s14] =	ssyncadd.s32 $0xFFFFC180  }
0x1e: {  	_ =	swait.ge [sflag:s16], $0x2780  }
0x1f: {  	[sflag:s16] =	ssyncset.done $0x0  }
0x20: {  	[sflag:s16] =	ssyncadd.s32 $0xFFFFD880  }
0x21: {  	[tilespmem:s18], [sflag:$0x1] =	stream.indirect.gather [hbm4b:s1+s17], $0x80, s4, s17, $0xb8;
	[tilespmem:$0x1F380] =	vst v63  }
0x22: {  	[bflag:$0x0] =	sbarrier.arrive $0xFFFF  }
0x23: {  	_ =	swait.ge [sflag:s19], $0x2800  }
0x24: {  	[sflag:s19] =	ssyncset.done $0x0  }
0x25: {  	[sflag:s19] =	ssyncadd.s32 $0xFFFFD800  }
0x26: {  	[spmem:s3] =	stream.indirect.scatter.add.f32 [tilespmem:s18], [sflag:$0x3], $0x80, s15, s17, $0xb8;
	[tilespmem:$0x1F380] =	vst v63  }
0x27: {  	_ = 	snop  }
0x28: {  	[tilespmem:s20], [sflag:$0x2] =	stream.indirect.gather [hbm4b:s1+s17], $0x80, s17, s17, $0xb8;
	[tilespmem:$0x1F380] =	vst v63  }
0x29: {  	_ =	swait.ge [sflag:s16], $0x2800  }
0x2a: {  	[sflag:s16] =	ssyncset.done $0x0  }
0x2b: {  	[sflag:s16] =	ssyncadd.s32 $0xFFFFD800  }
0x2c: {  	[spmem:s3] =	stream.indirect.scatter.add.f32 [tilespmem:s20], [sflag:$0x4], $0x80, s21, s17, $0xb8;
	[tilespmem:$0x1F380] =	vst v63  }
0x2d: {  	_ =	swait.ge [sflag:s22], $0x2800  }
0x2e: {  	[sflag:s22] =	ssyncset.done $0x0  }
0x2f: {  	[sflag:s22] =	ssyncadd.s32 $0xFFFFD800  }
0x30: {  	[tilespmem:s18], [sflag:$0x1] =	stream.indirect.gather [hbm4b:s1+s17], $0x80, s23, s17, $0xb8;
	[tilespmem:$0x1F380] =	vst v63  }
0x31: {  	_ =	swait.ge [sflag:s19], $0x2800  }
0x32: {  	[sflag:s19] =	ssyncset.done $0x0  }
0x33: {  	s29 =	simm.s32 $0x2880;
	[sflag:s19] =	ssyncadd.s32 $0xFFFFD800  }
0x34: {  	[spmem:s3] =	stream.indirect.scatter.add.f32 [tilespmem:s18], [sflag:$0x3], $0x80, s29, s17, $0xb8;
	[tilespmem:$0x1F380] =	vst v63  }
0x35: {  	_ =	swait.ge [sflag:s24], $0x2800  }
0x36: {  	[sflag:s24] =	ssyncset.done $0x0  }
0x37: {  	s29 =	simm.s32 $0xF0;
	[sflag:s24] =	ssyncadd.s32 $0xFFFFD800  }
0x38: {  	[tilespmem:s20], [sflag:$0x2] =	stream.indirect.gather [hbm4b:s1+s17], $0x80, s29, s17, $0xb8;
	[tilespmem:$0x1F380] =	vst v63  }
0x39: {  	_ =	swait.ge [sflag:s16], $0x2800  }
0x3a: {  	[sflag:s16] =	ssyncset.done $0x0  }
0x3b: {  	s29 =	simm.s32 $0x2900;
	[sflag:s16] =	ssyncadd.s32 $0xFFFFD800  }
0x3c: {  	[spmem:s3] =	stream.indirect.scatter.add.f32 [tilespmem:s20], [sflag:$0x4], $0x80, s29, s17, $0xb8;
	[tilespmem:$0x1F380] =	vst v63  }
0x3d: {  	_ =	swait.ge [sflag:s22], $0x2800  }
0x3e: {  	s31 =	simm.s32 $0x140;
	[sflag:s22] =	ssyncset.done $0x0  }
0x3f: {  	s30 =	simm.s32 $0x190;
	s29 =	simm.s32 $0xFFFF1000;
	[sflag:s22] =	ssyncadd.s32 $0xFFFFD800  }
.LBB2_2:
0x40: {  	[tilespmem:s18], [sflag:$0x1] =	stream.indirect.gather [hbm4b:s1+s17], $0x80, s31, s17, $0xb8;
	[tilespmem:$0x1F380] =	vst v63  }
0x41: {  	s31 =	smov.u32 s29  }
0x42: {  	p0 =	sne.s32 s29, $0xFFFFFC00;
	s29 =	sadd.s32 $0x400, s29;
	_ =	swait.ge [sflag:s19], $0x2800  }
0x43: {  	s31 =	sshra.s32 s31, $0x2;
	[sflag:s19] =	ssyncset.done $0x0  }
0x44: {  	s2 =	sadd.s32 $0x6580, s31;
	[sflag:s19] =	ssyncadd.s32 $0xFFFFD800  }
0x45: {  	[spmem:s3] =	stream.indirect.scatter.add.f32 [tilespmem:s18], [sflag:$0x3], $0x80, s2, s17, $0xb8;
	[tilespmem:$0x1F380] =	vst v63  }
0x46: {  	_ =	swait.ge [sflag:s24], $0x2800  }
0x47: {  	[sflag:s24] =	ssyncset.done $0x0  }
0x48: {  	[sflag:s24] =	ssyncadd.s32 $0xFFFFD800  }
0x49: {  	[tilespmem:s20], [sflag:$0x2] =	stream.indirect.gather [hbm4b:s1+s17], $0x80, s30, s17, $0xb8;
	[tilespmem:$0x1F380] =	vst v63  }
0x4a: {  	_ =	swait.ge [sflag:s16], $0x2800  }
0x4b: {  	[sflag:s16] =	ssyncset.done $0x0  }
.Ltmp0:
0x4c: {  	s2 =	sadd.s32 $0x6600, s31;
	[sflag:s16] =	ssyncadd.s32 $0xFFFFD800;
	(pc) =	sbr.rel @p0 .LBB2_2-.Ltmp0, $4  }
0x4d: {  	[spmem:s3] =	stream.indirect.scatter.add.f32 [tilespmem:s20], [sflag:$0x4], $0x80, s2, s17, $0xb8;
	[tilespmem:$0x1F380] =	vst v63  }
0x4e: {  	_ =	swait.ge [sflag:s22], $0x2800  }
0x4f: {  	[sflag:s22] =	ssyncset.done $0x0  }
0x50: {  	s31 =	sadd.s32 $0x50, s30;
	s30 =	sadd.s32 $0xA0, s30;
	[sflag:s22] =	ssyncadd.s32 $0xFFFFD800  }
0x51: {  	[tilespmem:s18], [sflag:$0x1] =	stream.indirect.gather [hbm4b:s1+s17], $0x80, s31, s17, $0xb8;
	[tilespmem:$0x1F380] =	vst v63  }
0x52: {  	_ =	swait.ge [sflag:s19], $0x2800  }
0x53: {  	[sflag:s19] =	ssyncset.done $0x0  }
0x54: {  	[sflag:s19] =	ssyncadd.s32 $0xFFFFD800  }
0x55: {  	[spmem:s3] =	stream.indirect.scatter.add.f32 [tilespmem:s18], [sflag:$0x3], $0x80, s26, s17, $0xb8;
	[tilespmem:$0x1F380] =	vst v63  }
0x56: {  	_ =	swait.ge [sflag:s24], $0x2800  }
0x57: {  	[sflag:s24] =	ssyncset.done $0x0  }
0x58: {  	[sflag:s24] =	ssyncadd.s32 $0xFFFFD800  }
0x59: {  	_ =	swait.ge [sflag:s22], $0x2800  }
0x5a: {  	s28 =	sadd.s32 $0x1, s28;
	[sflag:s22] =	ssyncset.done $0x0  }
0x5b: {  	p0 =	sne.s32 s28, s10;
	[sflag:s22] =	ssyncadd.s32 $0xFFFFD800  }
.Ltmp1:
0x5c: {  	[bflag:$0x0] =	sbarrier.arrive $0xFFFF;
	(pc) =	sbr.rel @p0 .LBB2_1-.Ltmp1, $4  }
0x5d: {  	[hbm:s9], [sflag:s25] =	dma.local [spmem:s11], $0x2780  }
0x5e: {  	_ =	swait.ge [sflag:s14], $0x2780  }
0x5f: {  	[sflag:s14] =	ssyncset.done $0x0  }
0x60: {  	[sflag:s14] =	ssyncadd.s32 $0xFFFFD880  }
0x61: {  	_ =	sfence.sel $0x180000  }
0x62: {  	[bflag:$0x0] =	sbarrier.arrive $0xFFFF  }
0x63: {  	_ =	strace $0x9000004D  }
0x64: {  	[bflag:$0x2] =	sbarrier.arrive $0xFFFF  }
0x65: {  	p0 =	sne.s32 s0, $0x0;
	s0 =	rddreg [dreg:$0x3]  }
0x66: {  	s0 =	sadd.s32 @!p0 $0x100000, s0  }
0x67: {  	[sflag:s0] =	ssyncadd.tile.s32 @!p0 $0x1;
	_ =	shalt  }
.Lfunc_end2:
_tile_overlayer_lowered:
.L_overlay_start_2:
0x68: {  	(tag) =	ssettag $0x2  }
0x69: {  	s0 =	rddreg [dreg:$0x0];
	s2 =	stileid.u32  }
0x6a: {  	s1 =	rddreg [dreg:$0x1];
	p0 =	sne.s32 s2, $0x0  }
0x6b: {  	s3 =	rddreg [dreg:$0x2];
	[bflag:$0x3] =	sbarrier.arrive $0xFFFF;
	s2 =	simm.s32 @!p0 $0x1C05  }
0x6c: {  	[timem:s3], [sflag:s2] =	dma.local @!p0 [hbm:s0], s1  }
0x6d: {  	s0 =	simm.s32 @!p0 $0x5  }
0x6e: {  	_ =	swait.ge @!p0 [sflag:s0], s1  }
0x6f: {  	s1 =	ssub.s32 @!p0 $0x0, s1;
	[sflag:s0] =	ssyncset.done @!p0 $0x0  }
0x70: {  	[sflag:s0] =	ssyncadd.s32 @!p0 s1  }
0x71: {  	[bflag:$0x3] =	sbarrier.arrive $0xFFFF  }
0x72: {  	_ =	shalt  }

// kernel: kernel.19.cloned.1.call-start
scs
__scs_entry_jumppad:
0x0: {  	(pc) =	sbr.rel $0x88, $3  }
0x1: {  	(tag) =	ssettag $0x0;
	lr =	simm.s32 $0x1  }
0x2: {  	[smem:$0x3F99] =	sst lr;
	_ =	strace $0xD0000000  }
0x3: {  	_ = 	snop  }
0x4: {  	_ = 	snop  }
0x5: {  	_ = 	snop  }
0x6: {  	_ = 	snop  }
0x7: {  	_ = 	snop  }
__scs_overlays_trampoline_lowered:
0x8: {  	[smem:$0x3FA8] =	sst s0  }
0x9: {  	[smem:$0x3FA9] =	sst s1  }
0xa: {  	[smem:$0x3FAA] =	sst s2  }
0xb: {  	[smem:$0x3FAB] =	sst s3  }
0xc: {  	[smem:$0x3FAC] =	sst s4  }
0xd: {  	[smem:$0x3FAD] =	sst s5  }
0xe: {  	[smem:$0x3FAE] =	sst s6  }
0xf: {  	[smem:$0x3FAF] =	sst s7  }
0x10: {  	[smem:$0x3FB0] =	sst s8  }
0x11: {  	[smem:$0x3FB1] =	sst s9;
	s0 =	simm.s32 @!p0 $0x0  }
0x12: {  	s1 =	sld [smem:$0x3F97];
	s0 =	simm.s32 @p0 $0x1  }
0x13: {  	[smem:$0x3FB2] =	sst s0;
	s0 =	simm.s32 @!p1 $0x0  }
0x14: {  	s2 =	sld [smem:$0x3F96];
	s0 =	simm.s32 @p1 $0x1  }
0x15: {  	[smem:$0x3FB3] =	sst s0;
	s0 =	simm.s32 @!p2 $0x0  }
0x16: {  	s3 =	sld [smem:$0x3FDB];
	s0 =	simm.s32 @p2 $0x1  }
0x17: {  	s4 =	simm.s32 $0x1BF5;
	[smem:$0x3FB5] =	sst s0  }
0x18: {  	s0 =	sld [smem:$0x3F98];
	_ =	swait.ge [sflag:s4], $0x0  }
0x19: {  	s7 =	sld [smem:$0x3F99]  }
0x1a: {  	s8 =	sadd.s32 $0xFFFFE003, lr  }
0x1b: {  	s9 =	sadd.s32 $0xFFFFFEF7, lr;
	s5 =	simm.s32 $0xFFFFFFFF;
	p2 =	slt.u32 s8, $0xFFFFF086  }
0x1c: {  	p1 =	slt.u32 s9, $0xF7A;
	s5 =	simm.s32 @!p2 $0x0  }
0x1d: {  	s5 =	simm.s32 @p1 $0x1;
	p0 =	seq.s32 s7, s2  }
0x1e: {  	s7 =	smul.u32 @!p0 $0xF7A, s2;
	p2 =	seq.s32 @!p0 s5, $0x0  }
0x1f: {  	s9 =	smul.u32 $0xF7A, s1;
	s8 =	simm.s32 @!p0 $0x1BF5;
	p2 =	por !p2, p0  }
0x20: {  	[sflag:s8] =	ssyncset.s32 @!p0 $0xFFFFF086;
	s6 =	sadd.s32 @!p0 s3, s7;
	s7 =	simm.s32 @!p0 $0x108  }
0x21: {  	s3 =	sadd.s32 s3, s9;
	s6 =	sadd.s32 @!p0 $0x88, s6;
	s7 =	simm.s32 @p2 $0x1082  }
0x22: {  	[simem:s7], [sflag:s8] =	dma.local @!p0 [hbm:s6], $0xF7A  }
0x23: {  	s9 =	sor.u32 $0xD0000000, s2;
	s6 =	simm.s32 $0x108;
	_ =	swait.ge @!p0 [sflag:s8], $0x0  }
0x24: {  	s3 =	sadd.s32 $0x88, s3;
	s6 =	simm.s32 @!p1 $0x1082;
	[sflag:s4] =	ssyncset.s32 $0xFFFFF086  }
0x25: {  	[simem:s6], [sflag:s4] =	dma.local [hbm:s3], $0xF7A  }
0x26: {  	[smem:$0x3F99] =	sst s1;
	(tag) =	ssettag s2;
	_ =	strace s9  }
0x27: {  	s1 =	sld [smem:$0x3FA9]  }
0x28: {  	s2 =	sld [smem:$0x3FAA]  }
0x29: {  	s4 =	sld [smem:$0x3FAC]  }
0x2a: {  	p0 =	seq.s32 s5, $0x0;
	s5 =	sld [smem:$0x3FAD]  }
0x2b: {  	s6 =	sld [smem:$0x3FAE]  }
0x2c: {  	s7 =	sld [smem:$0x3FAF]  }
0x2d: {  	s3 =	simm.s32 $0x108;
	s8 =	sld [smem:$0x3FB0]  }
0x2e: {  	s3 =	simm.s32 @!p0 $0x1082;
	s9 =	sld [smem:$0x3FB1]  }
0x2f: {  	lr =	sadd.s32 s0, s3;
	s0 =	sld [smem:$0x3FA8]  }
0x30: {  	s3 =	sld [smem:$0x3FAB]  }
0x31: {  	[smem:$0x3FB4] =	sst s10  }
0x32: {  	s10 =	sld [smem:$0x3FB2];
	_ =	sdelay $0x3  }
0x33: {  	p0 =	seq.s32 s10, $0x1;
	s10 =	sld [smem:$0x3FB4];
	_ =	sdelay $0x3  }
0x34: {  	[smem:$0x3FB4] =	sst s10  }
0x35: {  	s10 =	sld [smem:$0x3FB3];
	_ =	sdelay $0x3  }
0x36: {  	p1 =	seq.s32 s10, $0x1;
	s10 =	sld [smem:$0x3FB4];
	_ =	sdelay $0x3  }
0x37: {  	[smem:$0x3FB4] =	sst s10  }
0x38: {  	s10 =	sld [smem:$0x3FB5]  }
0x39: {  	_ = 	snop;
	(pc) =	sbr.ind lr, $3  }
0x3a: {  	_ = 	snop  }
0x3b: {  	_ = 	snop  }
0x3c: {  	p2 =	seq.s32 s10, $0x1;
	s10 =	sld [smem:$0x3FB4]  }
0x3d: {  	_ =	shalt  }
0x3e: {  	_ =	shalt  }
0x3f: {  	_ =	shalt  }
0x40: {  	_ =	shalt  }
0x41: {  	_ =	shalt  }
0x42: {  	_ =	shalt  }
0x43: {  	_ =	shalt  }
0x44: {  	_ =	shalt  }
0x45: {  	_ =	shalt  }
0x46: {  	_ =	shalt  }
0x47: {  	_ =	shalt  }
0x48: {  	_ =	shalt  }
0x49: {  	_ =	shalt  }
0x4a: {  	_ =	shalt  }
0x4b: {  	_ =	shalt  }
0x4c: {  	_ =	shalt  }
0x4d: {  	_ =	shalt  }
0x4e: {  	_ =	shalt  }
0x4f: {  	_ =	shalt  }
0x50: {  	_ =	shalt  }
0x51: {  	_ =	shalt  }
0x52: {  	_ =	shalt  }
0x53: {  	_ =	shalt  }
0x54: {  	_ =	shalt  }
0x55: {  	_ =	shalt  }
0x56: {  	_ =	shalt  }
0x57: {  	_ =	shalt  }
0x58: {  	_ =	shalt  }
0x59: {  	_ =	shalt  }
0x5a: {  	_ =	shalt  }
0x5b: {  	_ =	shalt  }
0x5c: {  	_ =	shalt  }
0x5d: {  	_ =	shalt  }
0x5e: {  	_ =	shalt  }
0x5f: {  	_ =	shalt  }
0x60: {  	_ =	shalt  }
0x61: {  	_ =	shalt  }
0x62: {  	_ =	shalt  }
0x63: {  	_ =	shalt  }
0x64: {  	_ =	shalt  }
0x65: {  	_ =	shalt  }
0x66: {  	_ =	shalt  }
0x67: {  	_ =	shalt  }
0x68: {  	_ =	shalt  }
0x69: {  	_ =	shalt  }
0x6a: {  	_ =	shalt  }
0x6b: {  	_ =	shalt  }
0x6c: {  	_ =	shalt  }
0x6d: {  	_ =	shalt  }
0x6e: {  	_ =	shalt  }
0x6f: {  	_ =	shalt  }
0x70: {  	_ =	shalt  }
0x71: {  	_ =	shalt  }
0x72: {  	_ =	shalt  }
0x73: {  	_ =	shalt  }
0x74: {  	_ =	shalt  }
0x75: {  	_ =	shalt  }
0x76: {  	_ =	shalt  }
0x77: {  	_ =	shalt  }
0x78: {  	_ =	shalt  }
0x79: {  	_ =	shalt  }
0x7a: {  	_ =	shalt  }
0x7b: {  	_ =	shalt  }
0x7c: {  	_ =	shalt  }
0x7d: {  	_ =	shalt  }
0x7e: {  	_ =	shalt  }
0x7f: {  	_ =	shalt  }
0x80: {  	_ =	shalt  }
0x81: {  	_ =	shalt  }
0x82: {  	_ =	shalt  }
0x83: {  	_ =	shalt  }
0x84: {  	_ =	shalt  }
0x85: {  	_ =	shalt  }
0x86: {  	_ =	shalt  }
0x87: {  	_ =	shalt  }
.Lfunc_end0:
.L_simem_size_0:
called_computation.3_lowered:
.L_overlay_start_0:
0x88: {  	s2 =	sld [smem:$0x3FD9]  }
0x89: {  	s3 =	sld [smem:$0x3FFE];
	_ =	sdelay $0x1  }
0x8a: {  	s1 =	srdreg.scid  }
0x8b: {  	s0 =	sand.u32 $0x1, s1  }
0x8c: {  	s17 =	sshll.u32 s0, $0xA;
	s2 =	sadd.s32 s3, s2  }
0x8d: {  	s2 =	sadd.s32 s2, s17  }
0x8e: {  	[smem:$0x3FC0] =	sst s2  }
0x8f: {  	_ = 	snop  }
0x90: {  	s2 =	sld [smem:$0x3FD0];
	(tm) =	ssettm $0x1  }
0x91: {  	s18 =	sld [smem:$0x3FFB];
	_ =	sdelay $0x3  }
0x92: {  	_ =	strace s18  }
0x93: {  	s3 =	sld [smem:$0x3FFC];
	_ =	sdelay $0x3  }
0x94: {  	_ =	strace s3  }
0x95: {  	s3 =	sld [smem:$0x3FFD];
	_ =	sdelay $0x3  }
0x96: {  	_ =	strace s3  }
0x97: {  	_ =	strace $0x8FFFFFFF  }
0x98: {  	s19 =	sld [smem:$0x3FDB];
	_ =	sdelay $0x1  }
0x99: {  	s4 =	simm.s32 $_scs_section_size  }
0x9a: {  	s5 =	simm.s32 $_size__tile_overlayer_lowered;
	s6 =	simm.s32 $_tile_overlayer_lowered  }
0x9b: {  	s22 =	simm.s32 $0x1BFF;
	s21 =	sshll.u32 s6, $0x1;
	s3 =	sadd.s32 s4, s19  }
0x9c: {  	s7 =	simm.s32 $0x0;
	s20 =	sshll.u32 s5, $0x1;
	s5 =	sadd.s32 s21, s3  }
0x9d: {  	[timem:s7], [sflag:s22] =	dma.local [hbm:s5], s20  }
0x9e: {  	_ =	swait.ge [sflag:s22], s20  }
0x9f: {  	s4 =	ssub.s32 $0x0, s20;
	[sflag:s22] =	ssyncset.done $0x0  }
0xa0: {  	[sflag:s22] =	ssyncadd.s32 s4;
	_ =	sdelay $0x1  }
0xa1: {  	s23 =	simm.s32 $0x1B8B  }
0xa2: {  	_ =	swait.ge [sflag:s23], $0x1  }
0xa3: {  	[sflag:s23] =	ssyncset.done $0x0  }
0xa4: {  	s25 =	simm.s32 $0x1B8E;
	s24 =	sld [smem:$0x3FFE];
	[sflag:s23] =	ssyncadd.s32 $0xFFFFFFFF  }
0xa5: {  	s26 =	simm.s32 $execute0_lowered;
	[smem:$0x3FD2] =	sst s25  }
0xa6: {  	s5 =	sshll.u32 s26, $0x1;
	_ =	strace $0x8000004F;
	[dreg:$0x1] =	wrdreg $0xFFFFFFFF  }
0xa7: {  	s28 =	simm.s32 $_size_execute0_lowered;
	s3 =	sadd.s32 s3, s5;
	[dreg:$0x0] =	wrdreg $0x0  }
0xa8: {  	s5 =	sshll.u32 s28, $0x1;
	[dreg:$0x2] =	wrdreg s3  }
0xa9: {  	[dreg:$0x3] =	wrdreg s5  }
0xaa: {  	[dreg:$0x4] =	wrdreg $0xC0  }
0xab: {  	_ =	task [dreg:s7], $0x5FFFF  }
0xac: {  	[dreg:$0x1] =	wrdreg $0xFFFFFFFF  }
0xad: {  	[dreg:$0x0] =	wrdreg $0x60  }
0xae: {  	[dreg:$0x2] =	wrdreg s2  }
0xaf: {  	[dreg:$0x3] =	wrdreg s24  }
0xb0: {  	[dreg:$0x4] =	wrdreg $0xB7800  }
0xb1: {  	[dreg:$0x5] =	wrdreg $0x9  }
0xb2: {  	_ =	task.clear_ibuf [dreg:s7], $0x6FFFF;
	_ =	strace $0x9000004F  }
0xb3: {  	s29 =	simm.s32 $0x9;
	_ =	strace $0x80000051  }
0xb4: {  	_ =	swait.ge [sflag:s29], $0x1  }
0xb5: {  	[sflag:s29] =	ssyncadd.s32 $0xFFFFFFFF  }
0xb6: {  	_ =	strace $0x90000051  }
0xb7: {  	_ =	sfence  }
0xb8: {  	s30 =	sld [smem:$0x0];
	_ =	sdelay $0x2  }
0xb9: {  	s31 =	sshll.u32 s1, $0xD;
	s1 =	sshrl.u32 s1, $0x2  }
0xba: {  	s3 =	sand.u32 $0x4000, s31;
	s1 =	sadd.s32 s1, s30  }
0xbb: {  	s0 =	sor.u32 s3, s0;
	s1 =	sshll.u32 s1, $0x11  }
0xbc: {  	s0 =	sor.u32 s1, s0  }
0xbd: {  	s0 =	sadd.s32 $0x8F2B, s0  }
0xbe: {  	[sflag:s0] =	ssyncadd.remote.s32 $0x1  }
0xbf: {  	_ =	sfence.sel $0xFFFF  }
0xc0: {  	[dreg:$0x0] =	wrdreg $0xFFFFFFFF;
	(pc) =	sbr.abs _section_cstart, $3  }
0xc1: {  	[dreg:$0x1] =	wrdreg $0xFFFFFFFF  }
0xc2: {  	_ =	task.clear_ibuf [dreg:s7], $0x2FFFF;
	_ =	strace $0x9FFFFFFF  }
0xc3: {  	(tm) =	ssettm $0x7FFFFFFF  }
tec
execute0_lowered:
.L_overlay_start_1:
0x0: {  	(tag) =	ssettag $0x1  }
0x1: {  	s1 =	srdreg.scid  }
0x2: {  	s0 =	stileid.u32;
	s7 =	rddreg [dreg:$0x1]  }
0x3: {  	s3 =	rddreg [dreg:$0x2];
	s14 =	simm.s32 $0x5;
	s15 =	simm.s32 $0x2780  }
0x4: {  	s16 =	simm.s32 $0x2;
	s17 =	simm.s32 $0x50;
	s18 =	simm.s32 $0x6780  }
0x5: {  	s19 =	simm.s32 $0x1;
	s20 =	simm.s32 $0x8F80;
	s21 =	simm.s32 $0x2800  }
0x6: {  	s22 =	simm.s32 $0x3;
	s23 =	simm.s32 $0xA0;
	s9 =	smul.u32 $0x13C00, s0  }
0x7: {  	s28 =	simm.s32 $0x0;
	s6 =	sand.u32 $0x1, s1;
	s13 =	smul.u32 $0x4F000, s0  }
0x8: {  	s1 =	rddreg [dreg:$0x0];
	s2 =	sshrl.u32 s0, $0x3;
	s4 =	smul.u32 $0x27800, s6  }
0x9: {  	s8 =	sshll.u32 s0, $0x7;
	s25 =	sshll.u32 s0, $0xB;
	s5 =	smul.u32 $0x13C00, s2  }
0xa: {  	s8 =	sand.u32 $0x380, s8;
	s24 =	smul.u32 $0x13C000, s6;
	s11 =	sadd.s32 s25, s7  }
0xb: {  	s29 =	ssub.s32 $0x2, s6;
	s25 =	sshll.u32 s0, $0x6;
	s31 =	sshll.u32 s6, $0xF  }
0xc: {  	s12 =	sshrl.u32 s29, $0x1;
	s30 =	sshrl.u32 s13, $0x2;
	s6 =	sor.u32 $0x1C02, s25  }
0xd: {  	s25 =	sor.u32 $0x1C05, s25;
	s5 =	sadd.s32 s4, s5;
	s4 =	simm.s32 $0x0  }
0xe: {  	s26 =	sadd.s32 s9, s24;
	s12 =	ssub.s32 s29, s12;
	s13 =	sadd.s32 s30, s3  }
0xf: {  	s24 =	simm.s32 $0x4;
	s5 =	sor.u32 s8, s5;
	[smem:$0x7FF] =	sst s4  }
0x10: {  	s9 =	sshrl.u32 s26, $0x3;
	s8 =	sadd.s32 s31, s11;
	s11 =	sshrl.u32 s13, $0x3  }
0x11: {  	s13 =	simm.s32 $0x400;
	s26 =	simm.s32 $0x6580;
	s5 =	sshrl.u32 s5, $0x3  }
0x12: {  	_ =	strace $0x80000050;
	s9 =	sadd.s32 s9, s7;
	s8 =	sadd.s32 $0x55A00, s8  }
0x13: {  	s10 =	sadd.s32 s5, s7;
	s5 =	sadd.s32 $0x3A00, s7;
	s9 =	sadd.s32 $0x6F800, s9  }
0x14: {  	s7 =	sadd.s32 $0x65A00, s10;
	s10 =	smax.u32 s12, $0x1;
	s12 =	simm.s32 $0x80  }
.LBB2_1:
0x15: {  	[spmem:s11], [sflag:s6] =	dma.local [hbm:s5], $0x2780  }
0x16: {  	[tilespmem:s4], [sflag:$0x5] =	stream.strided.gather [hbm4b:s7+s12], $0x2780, s13, s12, $0x38;
	[tilespmem:$0x1F380] =	vst v63  }
0x17: {  	_ =	swait.ge [sflag:s14], $0x2780  }
0x18: {  	[sflag:s14] =	ssyncset.done $0x0  }
0x19: {  	[sflag:s14] =	ssyncadd.s32 $0xFFFFD880  }
0x1a: {  	[tilespmem:s15], [sflag:$0x5] =	stream.linear.gather [hbm4b:s8+s4], $0x3E80, $0x38;
	[tilespmem:$0x1F380] =	vst v63  }
0x1b: {  	_ =	swait.ge [sflag:s14], $0x3E80  }
0x1c: {  	[sflag:s14] =	ssyncset.done $0x0  }
0x1d: {  	[sflag:s14] =	ssyncadd.s32 $0xFFFFC180  }
0x1e: {  	_ =	swait.ge [sflag:s16], $0x2780  }
0x1f: {  	[sflag:s16] =	ssyncset.done $0x0  }
0x20: {  	[sflag:s16] =	ssyncadd.s32 $0xFFFFD880  }
0x21: {  	[tilespmem:s18], [sflag:$0x1] =	stream.indirect.gather [hbm4b:s1+s17], $0x80, s4, s17, $0xb8;
	[tilespmem:$0x1F380] =	vst v63  }
0x22: {  	[bflag:$0x0] =	sbarrier.arrive $0xFFFF  }
0x23: {  	_ =	swait.ge [sflag:s19], $0x2800  }
0x24: {  	[sflag:s19] =	ssyncset.done $0x0  }
0x25: {  	[sflag:s19] =	ssyncadd.s32 $0xFFFFD800  }
0x26: {  	[spmem:s3] =	stream.indirect.scatter.add.f32 [tilespmem:s18], [sflag:$0x3], $0x80, s15, s17, $0xb8;
	[tilespmem:$0x1F380] =	vst v63  }
0x27: {  	_ = 	snop  }
0x28: {  	[tilespmem:s20], [sflag:$0x2] =	stream.indirect.gather [hbm4b:s1+s17], $0x80, s17, s17, $0xb8;
	[tilespmem:$0x1F380] =	vst v63  }
0x29: {  	_ =	swait.ge [sflag:s16], $0x2800  }
0x2a: {  	[sflag:s16] =	ssyncset.done $0x0  }
0x2b: {  	[sflag:s16] =	ssyncadd.s32 $0xFFFFD800  }
0x2c: {  	[spmem:s3] =	stream.indirect.scatter.add.f32 [tilespmem:s20], [sflag:$0x4], $0x80, s21, s17, $0xb8;
	[tilespmem:$0x1F380] =	vst v63  }
0x2d: {  	_ =	swait.ge [sflag:s22], $0x2800  }
0x2e: {  	[sflag:s22] =	ssyncset.done $0x0  }
0x2f: {  	[sflag:s22] =	ssyncadd.s32 $0xFFFFD800  }
0x30: {  	[tilespmem:s18], [sflag:$0x1] =	stream.indirect.gather [hbm4b:s1+s17], $0x80, s23, s17, $0xb8;
	[tilespmem:$0x1F380] =	vst v63  }
0x31: {  	_ =	swait.ge [sflag:s19], $0x2800  }
0x32: {  	[sflag:s19] =	ssyncset.done $0x0  }
0x33: {  	s29 =	simm.s32 $0x2880;
	[sflag:s19] =	ssyncadd.s32 $0xFFFFD800  }
0x34: {  	[spmem:s3] =	stream.indirect.scatter.add.f32 [tilespmem:s18], [sflag:$0x3], $0x80, s29, s17, $0xb8;
	[tilespmem:$0x1F380] =	vst v63  }
0x35: {  	_ =	swait.ge [sflag:s24], $0x2800  }
0x36: {  	[sflag:s24] =	ssyncset.done $0x0  }
0x37: {  	s29 =	simm.s32 $0xF0;
	[sflag:s24] =	ssyncadd.s32 $0xFFFFD800  }
0x38: {  	[tilespmem:s20], [sflag:$0x2] =	stream.indirect.gather [hbm4b:s1+s17], $0x80, s29, s17, $0xb8;
	[tilespmem:$0x1F380] =	vst v63  }
0x39: {  	_ =	swait.ge [sflag:s16], $0x2800  }
0x3a: {  	[sflag:s16] =	ssyncset.done $0x0  }
0x3b: {  	s29 =	simm.s32 $0x2900;
	[sflag:s16] =	ssyncadd.s32 $0xFFFFD800  }
0x3c: {  	[spmem:s3] =	stream.indirect.scatter.add.f32 [tilespmem:s20], [sflag:$0x4], $0x80, s29, s17, $0xb8;
	[tilespmem:$0x1F380] =	vst v63  }
0x3d: {  	_ =	swait.ge [sflag:s22], $0x2800  }
0x3e: {  	s31 =	simm.s32 $0x140;
	[sflag:s22] =	ssyncset.done $0x0  }
0x3f: {  	s30 =	simm.s32 $0x190;
	s29 =	simm.s32 $0xFFFF1000;
	[sflag:s22] =	ssyncadd.s32 $0xFFFFD800  }
.LBB2_2:
0x40: {  	[tilespmem:s18], [sflag:$0x1] =	stream.indirect.gather [hbm4b:s1+s17], $0x80, s31, s17, $0xb8;
	[tilespmem:$0x1F380] =	vst v63  }
0x41: {  	s31 =	smov.u32 s29  }
0x42: {  	p0 =	sne.s32 s29, $0xFFFFFC00;
	s29 =	sadd.s32 $0x400, s29;
	_ =	swait.ge [sflag:s19], $0x2800  }
0x43: {  	s31 =	sshra.s32 s31, $0x2;
	[sflag:s19] =	ssyncset.done $0x0  }
0x44: {  	s2 =	sadd.s32 $0x6580, s31;
	[sflag:s19] =	ssyncadd.s32 $0xFFFFD800  }
0x45: {  	[spmem:s3] =	stream.indirect.scatter.add.f32 [tilespmem:s18], [sflag:$0x3], $0x80, s2, s17, $0xb8;
	[tilespmem:$0x1F380] =	vst v63  }
0x46: {  	_ =	swait.ge [sflag:s24], $0x2800  }
0x47: {  	[sflag:s24] =	ssyncset.done $0x0  }
0x48: {  	[sflag:s24] =	ssyncadd.s32 $0xFFFFD800  }
0x49: {  	[tilespmem:s20], [sflag:$0x2] =	stream.indirect.gather [hbm4b:s1+s17], $0x80, s30, s17, $0xb8;
	[tilespmem:$0x1F380] =	vst v63  }
0x4a: {  	_ =	swait.ge [sflag:s16], $0x2800  }
0x4b: {  	[sflag:s16] =	ssyncset.done $0x0  }
.Ltmp0:
0x4c: {  	s2 =	sadd.s32 $0x6600, s31;
	[sflag:s16] =	ssyncadd.s32 $0xFFFFD800;
	(pc) =	sbr.rel @p0 .LBB2_2-.Ltmp0, $4  }
0x4d: {  	[spmem:s3] =	stream.indirect.scatter.add.f32 [tilespmem:s20], [sflag:$0x4], $0x80, s2, s17, $0xb8;
	[tilespmem:$0x1F380] =	vst v63  }
0x4e: {  	_ =	swait.ge [sflag:s22], $0x2800  }
0x4f: {  	[sflag:s22] =	ssyncset.done $0x0  }
0x50: {  	s31 =	sadd.s32 $0x50, s30;
	s30 =	sadd.s32 $0xA0, s30;
	[sflag:s22] =	ssyncadd.s32 $0xFFFFD800  }
0x51: {  	[tilespmem:s18], [sflag:$0x1] =	stream.indirect.gather [hbm4b:s1+s17], $0x80, s31, s17, $0xb8;
	[tilespmem:$0x1F380] =	vst v63  }
0x52: {  	_ =	swait.ge [sflag:s19], $0x2800  }
0x53: {  	[sflag:s19] =	ssyncset.done $0x0  }
0x54: {  	[sflag:s19] =	ssyncadd.s32 $0xFFFFD800  }
0x55: {  	[spmem:s3] =	stream.indirect.scatter.add.f32 [tilespmem:s18], [sflag:$0x3], $0x80, s26, s17, $0xb8;
	[tilespmem:$0x1F380] =	vst v63  }
0x56: {  	_ =	swait.ge [sflag:s24], $0x2800  }
0x57: {  	[sflag:s24] =	ssyncset.done $0x0  }
0x58: {  	[sflag:s24] =	ssyncadd.s32 $0xFFFFD800  }
0x59: {  	_ =	swait.ge [sflag:s22], $0x2800  }
0x5a: {  	s28 =	sadd.s32 $0x1, s28;
	[sflag:s22] =	ssyncset.done $0x0  }
0x5b: {  	p0 =	sne.s32 s28, s10;
	[sflag:s22] =	ssyncadd.s32 $0xFFFFD800  }
.Ltmp1:
0x5c: {  	[bflag:$0x0] =	sbarrier.arrive $0xFFFF;
	(pc) =	sbr.rel @p0 .LBB2_1-.Ltmp1, $4  }
0x5d: {  	[hbm:s9], [sflag:s25] =	dma.local [spmem:s11], $0x2780  }
0x5e: {  	_ =	swait.ge [sflag:s14], $0x2780  }
0x5f: {  	[sflag:s14] =	ssyncset.done $0x0  }
0x60: {  	[sflag:s14] =	ssyncadd.s32 $0xFFFFD880  }
0x61: {  	_ =	sfence.sel $0x180000  }
0x62: {  	[bflag:$0x0] =	sbarrier.arrive $0xFFFF  }
0x63: {  	_ =	strace $0x90000050  }
0x64: {  	[bflag:$0x2] =	sbarrier.arrive $0xFFFF  }
0x65: {  	p0 =	sne.s32 s0, $0x0;
	s0 =	rddreg [dreg:$0x3]  }
0x66: {  	s0 =	sadd.s32 @!p0 $0x100000, s0  }
0x67: {  	[sflag:s0] =	ssyncadd.tile.s32 @!p0 $0x1;
	_ =	shalt  }
.Lfunc_end2:
_tile_overlayer_lowered:
.L_overlay_start_2:
0x68: {  	(tag) =	ssettag $0x2  }
0x69: {  	s0 =	rddreg [dreg:$0x0];
	s2 =	stileid.u32  }
0x6a: {  	s1 =	rddreg [dreg:$0x1];
	p0 =	sne.s32 s2, $0x0  }
0x6b: {  	s3 =	rddreg [dreg:$0x2];
	[bflag:$0x3] =	sbarrier.arrive $0xFFFF;
	s2 =	simm.s32 @!p0 $0x1C05  }
0x6c: {  	[timem:s3], [sflag:s2] =	dma.local @!p0 [hbm:s0], s1  }
0x6d: {  	s0 =	simm.s32 @!p0 $0x5  }
0x6e: {  	_ =	swait.ge @!p0 [sflag:s0], s1  }
0x6f: {  	s1 =	ssub.s32 @!p0 $0x0, s1;
	[sflag:s0] =	ssyncset.done @!p0 $0x0  }
0x70: {  	[sflag:s0] =	ssyncadd.s32 @!p0 s1  }
0x71: {  	[bflag:$0x3] =	sbarrier.arrive $0xFFFF  }
0x72: {  	_ =	shalt  }

</sc_bundles>
